<compile_context>
chip_gen: v7x
topology: tpu7x:2x2x1
jax: 0.10.2.dev20260603
libtpu: 0.0.44.dev20260713+nightly
codegen_flags: <defaults>
</compile_context>

<pallas_src>
import functools

import jax
import jax.numpy as jnp
from jax import lax
from jax.experimental import pallas as pl
from jax.experimental.pallas import tpu as pltpu
from jax.experimental.pallas import tpu_sc as plsc

NUM_ITEMS = 8192
DIM = 10000
NLANE = DIM // 16
EPS = 1e-8

NTILE = 32
RPT = NUM_ITEMS // NTILE
SC_CHUNK = 4
NCHUNK = RPT // SC_CHUNK

_sc_mesh = plsc.VectorSubcoreMesh(core_axis_name="c", subcore_axis_name="s")


@functools.partial(
    pl.kernel,
    out_type=[
        jax.ShapeDtypeStruct((NTILE, DIM), jnp.float32),
        jax.ShapeDtypeStruct((NTILE, 48), jnp.float32),
    ],
    mesh=_sc_mesh,
    compiler_params=pltpu.CompilerParams(needs_layout_passes=False),
    scratch_types=[
        pltpu.VMEM((DIM,), jnp.float32),
        pltpu.VMEM((SC_CHUNK, DIM), jnp.float32),
        pltpu.VMEM((SC_CHUNK, DIM), jnp.float32),
        pltpu.VMEM((DIM,), jnp.float32),
        pltpu.VMEM((48,), jnp.float32),
        pltpu.SMEM((1,), jnp.float32),
        pltpu.SMEM((1,), jnp.int32),
        pltpu.SemaphoreType.DMA,
        pltpu.SemaphoreType.DMA,
    ],
)
def _sc_scan(noisy_hbm, vec_hbm, rows_out, meta_out,
             noisy_v, bufa, bufb, cand_v, meta_v,
             best_s, bidx_s, sema, semb):
    cid = lax.axis_index("c")
    sid = lax.axis_index("s")
    wid = sid * 2 + cid
    base = wid * RPT
    pltpu.sync_copy(noisy_hbm, noisy_v)
    best_s[0] = -jnp.inf
    bidx_s[0] = 0
    bufs = (bufa, bufb)
    sems = (sema, semb)

    def start(ci, s):
        pltpu.make_async_copy(
            vec_hbm.at[pl.ds(base + ci * SC_CHUNK, SC_CHUNK), :],
            bufs[s], sems[s]).start()

    start(0, 0)
    start(1, 1)

    def outer(o, _):
        for s in range(2):
            ci = o * 2 + s
            pltpu.make_async_copy(
                vec_hbm.at[pl.ds(base + ci * SC_CHUNK, SC_CHUNK), :],
                bufs[s], sems[s]).wait()
            buf = bufs[s]

            def jbody(j, accs, buf=buf):
                nj = noisy_v[pl.ds(j * 16, 16)]
                return tuple(a + buf[r, pl.ds(j * 16, 16)] * nj
                             for r, a in enumerate(accs))

            accs = lax.fori_loop(
                0, NLANE, jbody,
                tuple(jnp.zeros((16,), jnp.float32)
                      for _ in range(SC_CHUNK)))
            for r in range(SC_CHUNK):
                dot_r = jnp.sum(accs[r])

                @pl.when(dot_r > best_s[0])
                def _update(dot_r=dot_r, ci=ci, r=r, buf=buf):
                    best_s[0] = dot_r
                    bidx_s[0] = base + ci * SC_CHUNK + r

                    def cbody(j, sq, buf=buf, r=r):
                        v = buf[r, pl.ds(j * 16, 16)]
                        cand_v[pl.ds(j * 16, 16)] = v
                        return sq + v * v

                    sq = lax.fori_loop(0, NLANE, cbody,
                                       jnp.zeros((16,), jnp.float32))
                    meta_v[pl.ds(16, 16)] = sq

            @pl.when(ci + 2 < NCHUNK)
            def _refill(ci=ci, s=s):
                start(ci + 2, s)
        return 0

    lax.fori_loop(0, NCHUNK // 2, outer, 0)

    meta_v[pl.ds(0, 16)] = jnp.broadcast_to(best_s[0], (16,))
    meta_v[pl.ds(32, 16)] = jnp.broadcast_to(
        bidx_s[0].astype(jnp.float32), (16,))
    pltpu.sync_copy(cand_v, rows_out.at[wid])
    pltpu.sync_copy(meta_v, meta_out.at[wid])


def _merge_body(meta_ref, rows_ref, noisy_ref, clean_ref, idx_ref, sim_ref):
    a = meta_ref[...]
    dotc = a[:, 0:1]
    idxc = a[:, 32:33]
    m = jnp.max(dotc)
    big = jnp.float32(NUM_ITEMS)
    bi_f = jnp.min(jnp.where(dotc == m, idxc, big))
    tilei = lax.broadcasted_iota(jnp.int32, (NTILE, 1), 0)
    wt = jnp.min(jnp.where((dotc == m) & (idxc == bi_f), tilei, NTILE))
    ssq = jnp.sum(a[:, 16:32] * (tilei == wt).astype(jnp.float32))
    c = rows_ref[pl.ds(wt, 1), :]
    clean_ref[...] = c
    n = noisy_ref[...]
    cnorm = jnp.maximum(jnp.sqrt(ssq), EPS)
    nn = jnp.maximum(jnp.sqrt(jnp.sum(n * n)), EPS)
    idx_ref[0, 0] = bi_f.astype(jnp.int32)
    sim_ref[0, 0] = m / (cnorm * nn)


@jax.jit
def kernel(noisy, vectors):
    rows, meta = _sc_scan(noisy, vectors)
    clean, idx, sim = pl.pallas_call(
        _merge_body,
        in_specs=[
            pl.BlockSpec((NTILE, 48), lambda: (0, 0)),
            pl.BlockSpec((NTILE, DIM), lambda: (0, 0)),
            pl.BlockSpec((1, DIM), lambda: (0, 0)),
        ],
        out_specs=[
            pl.BlockSpec((1, DIM), lambda: (0, 0)),
            pl.BlockSpec(memory_space=pltpu.SMEM),
            pl.BlockSpec(memory_space=pltpu.SMEM),
        ],
        out_shape=[
            jax.ShapeDtypeStruct((1, DIM), jnp.float32),
            jax.ShapeDtypeStruct((1, 1), jnp.int32),
            jax.ShapeDtypeStruct((1, 1), jnp.float32),
        ],
    )(meta, rows, noisy.reshape(1, DIM))
    return clean[0], idx[0, 0], sim[0, 0]

# --- scband reference (transcript-rebuilt; emitter-appended) ---
"""Pipeline reference for scband-codebook-66168266162544 (READ-ONLY COPY).

The authoritative reference and input builder live on the scoring server;
editing this copy changes nothing except your own understanding.
"""

import jax, jax.numpy as jnp
import numpy as np

NUM_ITEMS = 8192
DIM = 10000

def setup_inputs(seed: int = 0) -> dict:
    key = jax.random.key(seed)
    k1, k2 = jax.random.split(key)
    noisy = jax.random.normal(k1, (DIM,), dtype=jnp.float32)
    vectors = jax.random.normal(k2, (NUM_ITEMS, DIM), dtype=jnp.float32)
    vectors = vectors / jnp.maximum(jnp.linalg.norm(vectors, axis=1, keepdims=True), 1e-12)
    return {"noisy": noisy, "vectors": vectors}

def reference(noisy, vectors):
    # Faithful translation of Codebook.cleanup():
    #   similarities = F.cosine_similarity(noisy.unsqueeze(0), vectors, dim=1)
    #   best_idx = similarities.argmax(); best_sim = similarities[best_idx]
    #   clean = vectors[best_idx]
    eps = 1e-8  # torch cosine_similarity default eps
    noisy_norm = jnp.maximum(jnp.linalg.norm(noisy), eps)
    vec_norms = jnp.maximum(jnp.linalg.norm(vectors, axis=1), eps)
    sims = (vectors @ noisy) / (vec_norms * noisy_norm)
    best_idx = jnp.argmax(sims)
    best_sim = sims[best_idx]
    clean = jnp.take(vectors, best_idx, axis=0)
    return (clean, best_idx, best_sim)

if __name__ == "__main__":
    import jax
    _d = setup_inputs()
    print(jax.jit(kernel)(*tuple(_d.values())))

</pallas_src>

<mosaic_0001>
#map = affine_map<(d0, d1) -> (0)>
#map1 = affine_map<(d0, d1) -> (0, 0)>
module attributes {stable_mosaic.version = 14 : i64} {
  func.func @_sc_scan(%arg0: i32, %arg1: i32, %arg2: memref<10000xf32, #tpu.memory_space<hbm>>, %arg3: memref<8192x10000xf32, #tpu.memory_space<hbm>>, %arg4: memref<32x10000xf32, #tpu.memory_space<hbm>>, %arg5: memref<32x48xf32, #tpu.memory_space<hbm>>, %arg6: memref<10000xf32, #tpu.memory_space<vmem>>, %arg7: memref<4x10000xf32, #tpu.memory_space<vmem>>, %arg8: memref<4x10000xf32, #tpu.memory_space<vmem>>, %arg9: memref<10000xf32, #tpu.memory_space<vmem>>, %arg10: memref<48xf32, #tpu.memory_space<vmem>>, %arg11: memref<1xf32, #tpu.memory_space<smem>>, %arg12: memref<1xi32, #tpu.memory_space<smem>>, %arg13: memref<!tpu.dma_semaphore, #tpu.memory_space<semaphore_mem>>, %arg14: memref<!tpu.dma_semaphore, #tpu.memory_space<semaphore_mem>>) attributes {dimension_semantics = [#tpu.dimension_semantics<core_parallel>, #tpu.dimension_semantics<subcore_parallel>], iteration_bounds = array<i64: 2, 16>, scalar_prefetch = 0 : i64, scratch_operands = 9 : i64, tpu.core_type = #tpu.core_type<sc_vector_subcore>, window_params = [{transform_indices = #map}, {transform_indices = #map1}, {transform_indices = #map1}, {transform_indices = #map1}]} {
    %mul3A = arith.constant 2 : i32
    %mul3A_0 = arith.muli %arg1, %mul3A : i32
    %add3A = arith.addi %mul3A_0, %arg0 : i32
    %mul3A_1 = arith.constant 256 : i32
    %mul3A_2 = arith.muli %add3A, %mul3A_1 : i32
    "tpu.region"() ({
      %run_scoped3A = tpu.sem_alloc : memref<!tpu.dma_semaphore, #tpu.memory_space<semaphore_mem>>
      tpu.enqueue_dma source(%arg2 : memref<10000xf32, #tpu.memory_space<hbm>>) target(%arg6 : memref<10000xf32, #tpu.memory_space<vmem>>) target_semaphore(%run_scoped3A : memref<!tpu.dma_semaphore, #tpu.memory_space<semaphore_mem>>)
      tpu.wait_dma2 semaphore(%run_scoped3A : memref<!tpu.dma_semaphore, #tpu.memory_space<semaphore_mem>>) src(%arg2 : memref<10000xf32, #tpu.memory_space<hbm>>) dst(%arg6 : memref<10000xf32, #tpu.memory_space<vmem>>)
      tpu.yield
    }) : () -> ()
    %swap3A = arith.constant 0xFF800000 : f32
    %swap3A_3 = arith.constant 0 : i32
    %swap3A_4 = arith.index_cast %swap3A_3 : i32 to index
    %swap3A_5 = memref.load %arg11[%swap3A_4] : memref<1xf32, #tpu.memory_space<smem>>
    memref.store %swap3A, %arg11[%swap3A_4] : memref<1xf32, #tpu.memory_space<smem>>
    %swap3A_6 = arith.constant 0 : i32
    %swap3A_7 = arith.constant 0 : i32
    %swap3A_8 = arith.index_cast %swap3A_7 : i32 to index
    %swap3A_9 = memref.load %arg12[%swap3A_8] : memref<1xi32, #tpu.memory_space<smem>>
    memref.store %swap3A_6, %arg12[%swap3A_8] : memref<1xi32, #tpu.memory_space<smem>>
    %add3A_10 = arith.constant 0 : i32
    %add3A_11 = arith.addi %mul3A_2, %add3A_10 : i32
    %dma_start3A = arith.constant 0 : i32
    %dma_start3A_12 = tpu.memref_slice %arg3[%add3A_11, %dma_start3A] : memref<8192x10000xf32, #tpu.memory_space<hbm>> -> memref<4x10000xf32, #tpu.memory_space<hbm>>
    %dma_start3A_13 = arith.constant 0 : i32
    %dma_start3A_14 = tpu.memref_slice %arg3[%add3A_11, %dma_start3A_13] : memref<8192x10000xf32, #tpu.memory_space<hbm>> -> memref<4x10000xf32, #tpu.memory_space<hbm>>
    tpu.enqueue_dma source(%dma_start3A_14 : memref<4x10000xf32, #tpu.memory_space<hbm>>) target(%arg7 : memref<4x10000xf32, #tpu.memory_space<vmem>>) target_semaphore(%arg13 : memref<!tpu.dma_semaphore, #tpu.memory_space<semaphore_mem>>)
    %add3A_15 = arith.constant 4 : i32
    %add3A_16 = arith.addi %mul3A_2, %add3A_15 : i32
    %dma_start3A_17 = arith.constant 0 : i32
    %dma_start3A_18 = tpu.memref_slice %arg3[%add3A_16, %dma_start3A_17] : memref<8192x10000xf32, #tpu.memory_space<hbm>> -> memref<4x10000xf32, #tpu.memory_space<hbm>>
    %dma_start3A_19 = arith.constant 0 : i32
    %dma_start3A_20 = tpu.memref_slice %arg3[%add3A_16, %dma_start3A_19] : memref<8192x10000xf32, #tpu.memory_space<hbm>> -> memref<4x10000xf32, #tpu.memory_space<hbm>>
    tpu.enqueue_dma source(%dma_start3A_20 : memref<4x10000xf32, #tpu.memory_space<hbm>>) target(%arg8 : memref<4x10000xf32, #tpu.memory_space<vmem>>) target_semaphore(%arg14 : memref<!tpu.dma_semaphore, #tpu.memory_space<semaphore_mem>>)
    %scan3A = arith.constant 0 : i32
    %scan3A_21 = arith.constant 0 : i32
    %scan3A_22 = arith.constant 32 : i32
    %scan3A_23 = arith.addi %scan3A_21, %scan3A_22 : i32
    %scan3A_24 = arith.constant 1 : i32
    %scan3A_25 = scf.for %scan3A_37 = %scan3A_21 to %scan3A_23 step %scan3A_24 iter_args(%scan3A_38 = %scan3A) -> (i32)  : i32 {
      %mul3A_39 = arith.constant 2 : i32
      %mul3A_40 = arith.muli %scan3A_37, %mul3A_39 : i32
      %add3A_41 = arith.constant 0 : i32
      %add3A_42 = arith.addi %mul3A_40, %add3A_41 : i32
      %mul3A_43 = arith.constant 4 : i32
      %mul3A_44 = arith.muli %add3A_42, %mul3A_43 : i32
      %add3A_45 = arith.addi %mul3A_2, %mul3A_44 : i32
      %dma_wait3A = arith.constant 0 : i32
      %dma_wait3A_46 = tpu.memref_slice %arg3[%add3A_45, %dma_wait3A] : memref<8192x10000xf32, #tpu.memory_space<hbm>> -> memref<4x10000xf32, #tpu.memory_space<hbm>>
      %dma_wait3A_47 = arith.constant 0 : i32
      %dma_wait3A_48 = tpu.memref_slice %arg3[%add3A_45, %dma_wait3A_47] : memref<8192x10000xf32, #tpu.memory_space<hbm>> -> memref<4x10000xf32, #tpu.memory_space<hbm>>
      tpu.wait_dma2 semaphore(%arg13 : memref<!tpu.dma_semaphore, #tpu.memory_space<semaphore_mem>>) src(%dma_wait3A_48 : memref<4x10000xf32, #tpu.memory_space<hbm>>) dst(%arg7 : memref<4x10000xf32, #tpu.memory_space<vmem>>)
      %broadcast_in_dim3A_49 = arith.constant 0.000000e+00 : f32
      %broadcast_in_dim3A_50 = vector.broadcast %broadcast_in_dim3A_49 : f32 to vector<16xf32>
      %broadcast_in_dim3A_51 = arith.constant 0.000000e+00 : f32
      %broadcast_in_dim3A_52 = vector.broadcast %broadcast_in_dim3A_51 : f32 to vector<16xf32>
      %broadcast_in_dim3A_53 = arith.constant 0.000000e+00 : f32
      %broadcast_in_dim3A_54 = vector.broadcast %broadcast_in_dim3A_53 : f32 to vector<16xf32>
      %broadcast_in_dim3A_55 = arith.constant 0.000000e+00 : f32
      %broadcast_in_dim3A_56 = vector.broadcast %broadcast_in_dim3A_55 : f32 to vector<16xf32>
      %scan3A_57 = arith.constant 0 : i32
      %scan3A_58 = arith.constant 625 : i32
      %scan3A_59 = arith.addi %scan3A_57, %scan3A_58 : i32
      %scan3A_60 = arith.constant 1 : i32
      %scan3A_61:4 = scf.for %scan3A_187 = %scan3A_57 to %scan3A_59 step %scan3A_60 iter_args(%scan3A_188 = %broadcast_in_dim3A_50, %scan3A_189 = %broadcast_in_dim3A_52, %scan3A_190 = %broadcast_in_dim3A_54, %scan3A_191 = %broadcast_in_dim3A_56) -> (vector<16xf32>, vector<16xf32>, vector<16xf32>, vector<16xf32>)  : i32 {
        %mul3A_192 = arith.constant 16 : i32
        %mul3A_193 = arith.muli %scan3A_187, %mul3A_192 : i32
        %get3A_194 = arith.index_cast %mul3A_193 : i32 to index
        %get3A_195 = tpu.vector_load %arg6[%get3A_194] {strides = array<i32>} : memref<10000xf32, #tpu.memory_space<vmem>>, vector<16xf32>,
        %mul3A_196 = arith.constant 16 : i32
        %mul3A_197 = arith.muli %scan3A_187, %mul3A_196 : i32
        %get3A_198 = arith.constant 0 : i32
        %get3A_199 = arith.index_cast %get3A_198 : i32 to index
        %get3A_200 = arith.index_cast %mul3A_197 : i32 to index
        %get3A_201 = tpu.vector_load %arg7[%get3A_199, %get3A_200] {strides = array<i32>} : memref<4x10000xf32, #tpu.memory_space<vmem>>, vector<16xf32>,
        %mul3A_202 = arith.mulf %get3A_201, %get3A_195 : vector<16xf32>
        %add3A_203 = arith.addf %scan3A_188, %mul3A_202 : vector<16xf32>
        %mul3A_204 = arith.constant 16 : i32
        %mul3A_205 = arith.muli %scan3A_187, %mul3A_204 : i32
        %get3A_206 = arith.constant 1 : i32
        %get3A_207 = arith.index_cast %get3A_206 : i32 to index
        %get3A_208 = arith.index_cast %mul3A_205 : i32 to index
        %get3A_209 = tpu.vector_load %arg7[%get3A_207, %get3A_208] {strides = array<i32>} : memref<4x10000xf32, #tpu.memory_space<vmem>>, vector<16xf32>,
        %mul3A_210 = arith.mulf %get3A_209, %get3A_195 : vector<16xf32>
        %add3A_211 = arith.addf %scan3A_189, %mul3A_210 : vector<16xf32>
        %mul3A_212 = arith.constant 16 : i32
        %mul3A_213 = arith.muli %scan3A_187, %mul3A_212 : i32
        %get3A_214 = arith.constant 2 : i32
        %get3A_215 = arith.index_cast %get3A_214 : i32 to index
        %get3A_216 = arith.index_cast %mul3A_213 : i32 to index
        %get3A_217 = tpu.vector_load %arg7[%get3A_215, %get3A_216] {strides = array<i32>} : memref<4x10000xf32, #tpu.memory_space<vmem>>, vector<16xf32>,
        %mul3A_218 = arith.mulf %get3A_217, %get3A_195 : vector<16xf32>
        %add3A_219 = arith.addf %scan3A_190, %mul3A_218 : vector<16xf32>
        %mul3A_220 = arith.constant 16 : i32
        %mul3A_221 = arith.muli %scan3A_187, %mul3A_220 : i32
        %get3A_222 = arith.constant 3 : i32
        %get3A_223 = arith.index_cast %get3A_222 : i32 to index
        %get3A_224 = arith.index_cast %mul3A_221 : i32 to index
        %get3A_225 = tpu.vector_load %arg7[%get3A_223, %get3A_224] {strides = array<i32>} : memref<4x10000xf32, #tpu.memory_space<vmem>>, vector<16xf32>,
        %mul3A_226 = arith.mulf %get3A_225, %get3A_195 : vector<16xf32>
        %add3A_227 = arith.addf %scan3A_191, %mul3A_226 : vector<16xf32>
        scf.yield %add3A_203, %add3A_211, %add3A_219, %add3A_227 : vector<16xf32>, vector<16xf32>, vector<16xf32>, vector<16xf32>
      }
      %scan3A_62 = arith.constant 625 : i32
      %reduce_sum3A = arith.constant true
      %reduce_sum3A_63 = vector.broadcast %reduce_sum3A : i1 to vector<16xi1>
      %reduce_sum3A_64 = tpu.scan <sum>, %scan3A_61#0 masked %reduce_sum3A_63 : vector<16xf32>, vector<16xi1> -> vector<16xf32>
      %reduce_sum3A_65 = vector.extract %reduce_sum3A_64[15] : f32 from vector<16xf32>
      %get3A_66 = arith.constant 0 : i32
      %get3A_67 = arith.index_cast %get3A_66 : i32 to index
      %get3A_68 = memref.load %arg11[%get3A_67] : memref<1xf32, #tpu.memory_space<smem>>
      %gt3A = arith.cmpf ogt, %reduce_sum3A_65, %get3A_68 : f32
      %convert_element_type3A_69 = arith.extui %gt3A : i1 to i32
      %cond3A = arith.constant 0 : i32
      %cond3A_70 = arith.cmpi ne, %convert_element_type3A_69, %cond3A : i32
      scf.if %cond3A_70 {
        %swap3A_187 = arith.constant 0 : i32
        %swap3A_188 = arith.index_cast %swap3A_187 : i32 to index
        %swap3A_189 = memref.load %arg11[%swap3A_188] : memref<1xf32, #tpu.memory_space<smem>>
        memref.store %reduce_sum3A_65, %arg11[%swap3A_188] : memref<1xf32, #tpu.memory_space<smem>>
        %mul3A_190 = arith.constant 4 : i32
        %mul3A_191 = arith.muli %add3A_42, %mul3A_190 : i32
        %add3A_192 = arith.addi %mul3A_2, %mul3A_191 : i32
        %add3A_193 = arith.constant 0 : i32
        %add3A_194 = arith.addi %add3A_192, %add3A_193 : i32
        %swap3A_195 = arith.constant 0 : i32
        %swap3A_196 = arith.index_cast %swap3A_195 : i32 to index
        %swap3A_197 = memref.load %arg12[%swap3A_196] : memref<1xi32, #tpu.memory_space<smem>>
        memref.store %add3A_194, %arg12[%swap3A_196] : memref<1xi32, #tpu.memory_space<smem>>
        %broadcast_in_dim3A_198 = arith.constant 0.000000e+00 : f32
        %broadcast_in_dim3A_199 = vector.broadcast %broadcast_in_dim3A_198 : f32 to vector<16xf32>
        %scan3A_200 = arith.constant 0 : i32
        %scan3A_201 = arith.constant 625 : i32
        %scan3A_202 = arith.addi %scan3A_200, %scan3A_201 : i32
        %scan3A_203 = arith.constant 1 : i32
        %scan3A_204 = scf.for %scan3A_208 = %scan3A_200 to %scan3A_202 step %scan3A_203 iter_args(%scan3A_209 = %broadcast_in_dim3A_199) -> (vector<16xf32>)  : i32 {
          %mul3A_210 = arith.constant 16 : i32
          %mul3A_211 = arith.muli %scan3A_208, %mul3A_210 : i32
          %get3A_212 = arith.constant 0 : i32
          %get3A_213 = arith.index_cast %get3A_212 : i32 to index
          %get3A_214 = arith.index_cast %mul3A_211 : i32 to index
          %get3A_215 = tpu.vector_load %arg7[%get3A_213, %get3A_214] {strides = array<i32>} : memref<4x10000xf32, #tpu.memory_space<vmem>>, vector<16xf32>,
          %mul3A_216 = arith.constant 16 : i32
          %mul3A_217 = arith.muli %scan3A_208, %mul3A_216 : i32
          %swap3A_218 = arith.index_cast %mul3A_217 : i32 to index
          %swap3A_219 = tpu.vector_load %arg9[%swap3A_218] {strides = array<i32>} : memref<10000xf32, #tpu.memory_space<vmem>>, vector<16xf32>,
          tpu.vector_store %arg9[%swap3A_218], %get3A_215 {strides = array<i32>} : memref<10000xf32, #tpu.memory_space<vmem>>, vector<16xf32>,
          %mul3A_220 = arith.mulf %get3A_215, %get3A_215 : vector<16xf32>
          %add3A_221 = arith.addf %scan3A_209, %mul3A_220 : vector<16xf32>
          scf.yield %add3A_221 : vector<16xf32>
        }
        %scan3A_205 = arith.constant 625 : i32
        %swap3A_206 = arith.constant 16 : index
        %swap3A_207 = tpu.vector_load %arg10[%swap3A_206] {strides = array<i32>} : memref<48xf32, #tpu.memory_space<vmem>>, vector<16xf32>,
        tpu.vector_store %arg10[%swap3A_206], %scan3A_204 {strides = array<i32>} : memref<48xf32, #tpu.memory_space<vmem>>, vector<16xf32>,
      } else {
      }
      %reduce_sum3A_71 = arith.constant true
      %reduce_sum3A_72 = vector.broadcast %reduce_sum3A_71 : i1 to vector<16xi1>
      %reduce_sum3A_73 = tpu.scan <sum>, %scan3A_61#1 masked %reduce_sum3A_72 : vector<16xf32>, vector<16xi1> -> vector<16xf32>
      %reduce_sum3A_74 = vector.extract %reduce_sum3A_73[15] : f32 from vector<16xf32>
      %get3A_75 = arith.constant 0 : i32
      %get3A_76 = arith.index_cast %get3A_75 : i32 to index
      %get3A_77 = memref.load %arg11[%get3A_76] : memref<1xf32, #tpu.memory_space<smem>>
      %gt3A_78 = arith.cmpf ogt, %reduce_sum3A_74, %get3A_77 : f32
      %convert_element_type3A_79 = arith.extui %gt3A_78 : i1 to i32
      %cond3A_80 = arith.constant 0 : i32
      %cond3A_81 = arith.cmpi ne, %convert_element_type3A_79, %cond3A_80 : i32
      scf.if %cond3A_81 {
        %swap3A_187 = arith.constant 0 : i32
        %swap3A_188 = arith.index_cast %swap3A_187 : i32 to index
        %swap3A_189 = memref.load %arg11[%swap3A_188] : memref<1xf32, #tpu.memory_space<smem>>
        memref.store %reduce_sum3A_74, %arg11[%swap3A_188] : memref<1xf32, #tpu.memory_space<smem>>
        %mul3A_190 = arith.constant 4 : i32
        %mul3A_191 = arith.muli %add3A_42, %mul3A_190 : i32
        %add3A_192 = arith.addi %mul3A_2, %mul3A_191 : i32
        %add3A_193 = arith.constant 1 : i32
        %add3A_194 = arith.addi %add3A_192, %add3A_193 : i32
        %swap3A_195 = arith.constant 0 : i32
        %swap3A_196 = arith.index_cast %swap3A_195 : i32 to index
        %swap3A_197 = memref.load %arg12[%swap3A_196] : memref<1xi32, #tpu.memory_space<smem>>
        memref.store %add3A_194, %arg12[%swap3A_196] : memref<1xi32, #tpu.memory_space<smem>>
        %broadcast_in_dim3A_198 = arith.constant 0.000000e+00 : f32
        %broadcast_in_dim3A_199 = vector.broadcast %broadcast_in_dim3A_198 : f32 to vector<16xf32>
        %scan3A_200 = arith.constant 0 : i32
        %scan3A_201 = arith.constant 625 : i32
        %scan3A_202 = arith.addi %scan3A_200, %scan3A_201 : i32
        %scan3A_203 = arith.constant 1 : i32
        %scan3A_204 = scf.for %scan3A_208 = %scan3A_200 to %scan3A_202 step %scan3A_203 iter_args(%scan3A_209 = %broadcast_in_dim3A_199) -> (vector<16xf32>)  : i32 {
          %mul3A_210 = arith.constant 16 : i32
          %mul3A_211 = arith.muli %scan3A_208, %mul3A_210 : i32
          %get3A_212 = arith.constant 1 : i32
          %get3A_213 = arith.index_cast %get3A_212 : i32 to index
          %get3A_214 = arith.index_cast %mul3A_211 : i32 to index
          %get3A_215 = tpu.vector_load %arg7[%get3A_213, %get3A_214] {strides = array<i32>} : memref<4x10000xf32, #tpu.memory_space<vmem>>, vector<16xf32>,
          %mul3A_216 = arith.constant 16 : i32
          %mul3A_217 = arith.muli %scan3A_208, %mul3A_216 : i32
          %swap3A_218 = arith.index_cast %mul3A_217 : i32 to index
          %swap3A_219 = tpu.vector_load %arg9[%swap3A_218] {strides = array<i32>} : memref<10000xf32, #tpu.memory_space<vmem>>, vector<16xf32>,
          tpu.vector_store %arg9[%swap3A_218], %get3A_215 {strides = array<i32>} : memref<10000xf32, #tpu.memory_space<vmem>>, vector<16xf32>,
          %mul3A_220 = arith.mulf %get3A_215, %get3A_215 : vector<16xf32>
          %add3A_221 = arith.addf %scan3A_209, %mul3A_220 : vector<16xf32>
          scf.yield %add3A_221 : vector<16xf32>
        }
        %scan3A_205 = arith.constant 625 : i32
        %swap3A_206 = arith.constant 16 : index
        %swap3A_207 = tpu.vector_load %arg10[%swap3A_206] {strides = array<i32>} : memref<48xf32, #tpu.memory_space<vmem>>, vector<16xf32>,
        tpu.vector_store %arg10[%swap3A_206], %scan3A_204 {strides = array<i32>} : memref<48xf32, #tpu.memory_space<vmem>>, vector<16xf32>,
      } else {
      }
      %reduce_sum3A_82 = arith.constant true
      %reduce_sum3A_83 = vector.broadcast %reduce_sum3A_82 : i1 to vector<16xi1>
      %reduce_sum3A_84 = tpu.scan <sum>, %scan3A_61#2 masked %reduce_sum3A_83 : vector<16xf32>, vector<16xi1> -> vector<16xf32>
      %reduce_sum3A_85 = vector.extract %reduce_sum3A_84[15] : f32 from vector<16xf32>
      %get3A_86 = arith.constant 0 : i32
      %get3A_87 = arith.index_cast %get3A_86 : i32 to index
      %get3A_88 = memref.load %arg11[%get3A_87] : memref<1xf32, #tpu.memory_space<smem>>
      %gt3A_89 = arith.cmpf ogt, %reduce_sum3A_85, %get3A_88 : f32
      %convert_element_type3A_90 = arith.extui %gt3A_89 : i1 to i32
      %cond3A_91 = arith.constant 0 : i32
      %cond3A_92 = arith.cmpi ne, %convert_element_type3A_90, %cond3A_91 : i32
      scf.if %cond3A_92 {
        %swap3A_187 = arith.constant 0 : i32
        %swap3A_188 = arith.index_cast %swap3A_187 : i32 to index
        %swap3A_189 = memref.load %arg11[%swap3A_188] : memref<1xf32, #tpu.memory_space<smem>>
        memref.store %reduce_sum3A_85, %arg11[%swap3A_188] : memref<1xf32, #tpu.memory_space<smem>>
        %mul3A_190 = arith.constant 4 : i32
        %mul3A_191 = arith.muli %add3A_42, %mul3A_190 : i32
        %add3A_192 = arith.addi %mul3A_2, %mul3A_191 : i32
        %add3A_193 = arith.constant 2 : i32
        %add3A_194 = arith.addi %add3A_192, %add3A_193 : i32
        %swap3A_195 = arith.constant 0 : i32
        %swap3A_196 = arith.index_cast %swap3A_195 : i32 to index
        %swap3A_197 = memref.load %arg12[%swap3A_196] : memref<1xi32, #tpu.memory_space<smem>>
        memref.store %add3A_194, %arg12[%swap3A_196] : memref<1xi32, #tpu.memory_space<smem>>
        %broadcast_in_dim3A_198 = arith.constant 0.000000e+00 : f32
        %broadcast_in_dim3A_199 = vector.broadcast %broadcast_in_dim3A_198 : f32 to vector<16xf32>
        %scan3A_200 = arith.constant 0 : i32
        %scan3A_201 = arith.constant 625 : i32
        %scan3A_202 = arith.addi %scan3A_200, %scan3A_201 : i32
        %scan3A_203 = arith.constant 1 : i32
        %scan3A_204 = scf.for %scan3A_208 = %scan3A_200 to %scan3A_202 step %scan3A_203 iter_args(%scan3A_209 = %broadcast_in_dim3A_199) -> (vector<16xf32>)  : i32 {
          %mul3A_210 = arith.constant 16 : i32
          %mul3A_211 = arith.muli %scan3A_208, %mul3A_210 : i32
          %get3A_212 = arith.constant 2 : i32
          %get3A_213 = arith.index_cast %get3A_212 : i32 to index
          %get3A_214 = arith.index_cast %mul3A_211 : i32 to index
          %get3A_215 = tpu.vector_load %arg7[%get3A_213, %get3A_214] {strides = array<i32>} : memref<4x10000xf32, #tpu.memory_space<vmem>>, vector<16xf32>,
          %mul3A_216 = arith.constant 16 : i32
          %mul3A_217 = arith.muli %scan3A_208, %mul3A_216 : i32
          %swap3A_218 = arith.index_cast %mul3A_217 : i32 to index
          %swap3A_219 = tpu.vector_load %arg9[%swap3A_218] {strides = array<i32>} : memref<10000xf32, #tpu.memory_space<vmem>>, vector<16xf32>,
          tpu.vector_store %arg9[%swap3A_218], %get3A_215 {strides = array<i32>} : memref<10000xf32, #tpu.memory_space<vmem>>, vector<16xf32>,
          %mul3A_220 = arith.mulf %get3A_215, %get3A_215 : vector<16xf32>
          %add3A_221 = arith.addf %scan3A_209, %mul3A_220 : vector<16xf32>
          scf.yield %add3A_221 : vector<16xf32>
        }
        %scan3A_205 = arith.constant 625 : i32
        %swap3A_206 = arith.constant 16 : index
        %swap3A_207 = tpu.vector_load %arg10[%swap3A_206] {strides = array<i32>} : memref<48xf32, #tpu.memory_space<vmem>>, vector<16xf32>,
        tpu.vector_store %arg10[%swap3A_206], %scan3A_204 {strides = array<i32>} : memref<48xf32, #tpu.memory_space<vmem>>, vector<16xf32>,
      } else {
      }
      %reduce_sum3A_93 = arith.constant true
      %reduce_sum3A_94 = vector.broadcast %reduce_sum3A_93 : i1 to vector<16xi1>
      %reduce_sum3A_95 = tpu.scan <sum>, %scan3A_61#3 masked %reduce_sum3A_94 : vector<16xf32>, vector<16xi1> -> vector<16xf32>
      %reduce_sum3A_96 = vector.extract %reduce_sum3A_95[15] : f32 from vector<16xf32>
      %get3A_97 = arith.constant 0 : i32
      %get3A_98 = arith.index_cast %get3A_97 : i32 to index
      %get3A_99 = memref.load %arg11[%get3A_98] : memref<1xf32, #tpu.memory_space<smem>>
      %gt3A_100 = arith.cmpf ogt, %reduce_sum3A_96, %get3A_99 : f32
      %convert_element_type3A_101 = arith.extui %gt3A_100 : i1 to i32
      %cond3A_102 = arith.constant 0 : i32
      %cond3A_103 = arith.cmpi ne, %convert_element_type3A_101, %cond3A_102 : i32
      scf.if %cond3A_103 {
        %swap3A_187 = arith.constant 0 : i32
        %swap3A_188 = arith.index_cast %swap3A_187 : i32 to index
        %swap3A_189 = memref.load %arg11[%swap3A_188] : memref<1xf32, #tpu.memory_space<smem>>
        memref.store %reduce_sum3A_96, %arg11[%swap3A_188] : memref<1xf32, #tpu.memory_space<smem>>
        %mul3A_190 = arith.constant 4 : i32
        %mul3A_191 = arith.muli %add3A_42, %mul3A_190 : i32
        %add3A_192 = arith.addi %mul3A_2, %mul3A_191 : i32
        %add3A_193 = arith.constant 3 : i32
        %add3A_194 = arith.addi %add3A_192, %add3A_193 : i32
        %swap3A_195 = arith.constant 0 : i32
        %swap3A_196 = arith.index_cast %swap3A_195 : i32 to index
        %swap3A_197 = memref.load %arg12[%swap3A_196] : memref<1xi32, #tpu.memory_space<smem>>
        memref.store %add3A_194, %arg12[%swap3A_196] : memref<1xi32, #tpu.memory_space<smem>>
        %broadcast_in_dim3A_198 = arith.constant 0.000000e+00 : f32
        %broadcast_in_dim3A_199 = vector.broadcast %broadcast_in_dim3A_198 : f32 to vector<16xf32>
        %scan3A_200 = arith.constant 0 : i32
        %scan3A_201 = arith.constant 625 : i32
        %scan3A_202 = arith.addi %scan3A_200, %scan3A_201 : i32
        %scan3A_203 = arith.constant 1 : i32
        %scan3A_204 = scf.for %scan3A_208 = %scan3A_200 to %scan3A_202 step %scan3A_203 iter_args(%scan3A_209 = %broadcast_in_dim3A_199) -> (vector<16xf32>)  : i32 {
          %mul3A_210 = arith.constant 16 : i32
          %mul3A_211 = arith.muli %scan3A_208, %mul3A_210 : i32
          %get3A_212 = arith.constant 3 : i32
          %get3A_213 = arith.index_cast %get3A_212 : i32 to index
          %get3A_214 = arith.index_cast %mul3A_211 : i32 to index
          %get3A_215 = tpu.vector_load %arg7[%get3A_213, %get3A_214] {strides = array<i32>} : memref<4x10000xf32, #tpu.memory_space<vmem>>, vector<16xf32>,
          %mul3A_216 = arith.constant 16 : i32
          %mul3A_217 = arith.muli %scan3A_208, %mul3A_216 : i32
          %swap3A_218 = arith.index_cast %mul3A_217 : i32 to index
          %swap3A_219 = tpu.vector_load %arg9[%swap3A_218] {strides = array<i32>} : memref<10000xf32, #tpu.memory_space<vmem>>, vector<16xf32>,
          tpu.vector_store %arg9[%swap3A_218], %get3A_215 {strides = array<i32>} : memref<10000xf32, #tpu.memory_space<vmem>>, vector<16xf32>,
          %mul3A_220 = arith.mulf %get3A_215, %get3A_215 : vector<16xf32>
          %add3A_221 = arith.addf %scan3A_209, %mul3A_220 : vector<16xf32>
          scf.yield %add3A_221 : vector<16xf32>
        }
        %scan3A_205 = arith.constant 625 : i32
        %swap3A_206 = arith.constant 16 : index
        %swap3A_207 = tpu.vector_load %arg10[%swap3A_206] {strides = array<i32>} : memref<48xf32, #tpu.memory_space<vmem>>, vector<16xf32>,
        tpu.vector_store %arg10[%swap3A_206], %scan3A_204 {strides = array<i32>} : memref<48xf32, #tpu.memory_space<vmem>>, vector<16xf32>,
      } else {
      }
      %add3A_104 = arith.constant 2 : i32
      %add3A_105 = arith.addi %add3A_42, %add3A_104 : i32
      %lt3A = arith.constant 64 : i32
      %lt3A_106 = arith.cmpi slt, %add3A_105, %lt3A : i32
      %convert_element_type3A_107 = arith.extui %lt3A_106 : i1 to i32
      %cond3A_108 = arith.constant 0 : i32
      %cond3A_109 = arith.cmpi ne, %convert_element_type3A_107, %cond3A_108 : i32
      scf.if %cond3A_109 {
        %add3A_187 = arith.constant 2 : i32
        %add3A_188 = arith.addi %add3A_42, %add3A_187 : i32
        %mul3A_189 = arith.constant 4 : i32
        %mul3A_190 = arith.muli %add3A_188, %mul3A_189 : i32
        %add3A_191 = arith.addi %mul3A_2, %mul3A_190 : i32
        %dma_start3A_192 = arith.constant 0 : i32
        %dma_start3A_193 = tpu.memref_slice %arg3[%add3A_191, %dma_start3A_192] : memref<8192x10000xf32, #tpu.memory_space<hbm>> -> memref<4x10000xf32, #tpu.memory_space<hbm>>
        %dma_start3A_194 = arith.constant 0 : i32
        %dma_start3A_195 = tpu.memref_slice %arg3[%add3A_191, %dma_start3A_194] : memref<8192x10000xf32, #tpu.memory_space<hbm>> -> memref<4x10000xf32, #tpu.memory_space<hbm>>
        tpu.enqueue_dma source(%dma_start3A_195 : memref<4x10000xf32, #tpu.memory_space<hbm>>) target(%arg7 : memref<4x10000xf32, #tpu.memory_space<vmem>>) target_semaphore(%arg13 : memref<!tpu.dma_semaphore, #tpu.memory_space<semaphore_mem>>)
      } else {
      }
      %mul3A_110 = arith.constant 2 : i32
      %mul3A_111 = arith.muli %scan3A_37, %mul3A_110 : i32
      %add3A_112 = arith.constant 1 : i32
      %add3A_113 = arith.addi %mul3A_111, %add3A_112 : i32
      %mul3A_114 = arith.constant 4 : i32
      %mul3A_115 = arith.muli %add3A_113, %mul3A_114 : i32
      %add3A_116 = arith.addi %mul3A_2, %mul3A_115 : i32
      %dma_wait3A_117 = arith.constant 0 : i32
      %dma_wait3A_118 = tpu.memref_slice %arg3[%add3A_116, %dma_wait3A_117] : memref<8192x10000xf32, #tpu.memory_space<hbm>> -> memref<4x10000xf32, #tpu.memory_space<hbm>>
      %dma_wait3A_119 = arith.constant 0 : i32
      %dma_wait3A_120 = tpu.memref_slice %arg3[%add3A_116, %dma_wait3A_119] : memref<8192x10000xf32, #tpu.memory_space<hbm>> -> memref<4x10000xf32, #tpu.memory_space<hbm>>
      tpu.wait_dma2 semaphore(%arg14 : memref<!tpu.dma_semaphore, #tpu.memory_space<semaphore_mem>>) src(%dma_wait3A_120 : memref<4x10000xf32, #tpu.memory_space<hbm>>) dst(%arg8 : memref<4x10000xf32, #tpu.memory_space<vmem>>)
      %broadcast_in_dim3A_121 = arith.constant 0.000000e+00 : f32
      %broadcast_in_dim3A_122 = vector.broadcast %broadcast_in_dim3A_121 : f32 to vector<16xf32>
      %broadcast_in_dim3A_123 = arith.constant 0.000000e+00 : f32
      %broadcast_in_dim3A_124 = vector.broadcast %broadcast_in_dim3A_123 : f32 to vector<16xf32>
      %broadcast_in_dim3A_125 = arith.constant 0.000000e+00 : f32
      %broadcast_in_dim3A_126 = vector.broadcast %broadcast_in_dim3A_125 : f32 to vector<16xf32>
      %broadcast_in_dim3A_127 = arith.constant 0.000000e+00 : f32
      %broadcast_in_dim3A_128 = vector.broadcast %broadcast_in_dim3A_127 : f32 to vector<16xf32>
      %scan3A_129 = arith.constant 0 : i32
      %scan3A_130 = arith.constant 625 : i32
      %scan3A_131 = arith.addi %scan3A_129, %scan3A_130 : i32
      %scan3A_132 = arith.constant 1 : i32
      %scan3A_133:4 = scf.for %scan3A_187 = %scan3A_129 to %scan3A_131 step %scan3A_132 iter_args(%scan3A_188 = %broadcast_in_dim3A_122, %scan3A_189 = %broadcast_in_dim3A_124, %scan3A_190 = %broadcast_in_dim3A_126, %scan3A_191 = %broadcast_in_dim3A_128) -> (vector<16xf32>, vector<16xf32>, vector<16xf32>, vector<16xf32>)  : i32 {
        %mul3A_192 = arith.constant 16 : i32
        %mul3A_193 = arith.muli %scan3A_187, %mul3A_192 : i32
        %get3A_194 = arith.index_cast %mul3A_193 : i32 to index
        %get3A_195 = tpu.vector_load %arg6[%get3A_194] {strides = array<i32>} : memref<10000xf32, #tpu.memory_space<vmem>>, vector<16xf32>,
        %mul3A_196 = arith.constant 16 : i32
        %mul3A_197 = arith.muli %scan3A_187, %mul3A_196 : i32
        %get3A_198 = arith.constant 0 : i32
        %get3A_199 = arith.index_cast %get3A_198 : i32 to index
        %get3A_200 = arith.index_cast %mul3A_197 : i32 to index
        %get3A_201 = tpu.vector_load %arg8[%get3A_199, %get3A_200] {strides = array<i32>} : memref<4x10000xf32, #tpu.memory_space<vmem>>, vector<16xf32>,
        %mul3A_202 = arith.mulf %get3A_201, %get3A_195 : vector<16xf32>
        %add3A_203 = arith.addf %scan3A_188, %mul3A_202 : vector<16xf32>
        %mul3A_204 = arith.constant 16 : i32
        %mul3A_205 = arith.muli %scan3A_187, %mul3A_204 : i32
        %get3A_206 = arith.constant 1 : i32
        %get3A_207 = arith.index_cast %get3A_206 : i32 to index
        %get3A_208 = arith.index_cast %mul3A_205 : i32 to index
        %get3A_209 = tpu.vector_load %arg8[%get3A_207, %get3A_208] {strides = array<i32>} : memref<4x10000xf32, #tpu.memory_space<vmem>>, vector<16xf32>,
        %mul3A_210 = arith.mulf %get3A_209, %get3A_195 : vector<16xf32>
        %add3A_211 = arith.addf %scan3A_189, %mul3A_210 : vector<16xf32>
        %mul3A_212 = arith.constant 16 : i32
        %mul3A_213 = arith.muli %scan3A_187, %mul3A_212 : i32
        %get3A_214 = arith.constant 2 : i32
        %get3A_215 = arith.index_cast %get3A_214 : i32 to index
        %get3A_216 = arith.index_cast %mul3A_213 : i32 to index
        %get3A_217 = tpu.vector_load %arg8[%get3A_215, %get3A_216] {strides = array<i32>} : memref<4x10000xf32, #tpu.memory_space<vmem>>, vector<16xf32>,
        %mul3A_218 = arith.mulf %get3A_217, %get3A_195 : vector<16xf32>
        %add3A_219 = arith.addf %scan3A_190, %mul3A_218 : vector<16xf32>
        %mul3A_220 = arith.constant 16 : i32
        %mul3A_221 = arith.muli %scan3A_187, %mul3A_220 : i32
        %get3A_222 = arith.constant 3 : i32
        %get3A_223 = arith.index_cast %get3A_222 : i32 to index
        %get3A_224 = arith.index_cast %mul3A_221 : i32 to index
        %get3A_225 = tpu.vector_load %arg8[%get3A_223, %get3A_224] {strides = array<i32>} : memref<4x10000xf32, #tpu.memory_space<vmem>>, vector<16xf32>,
        %mul3A_226 = arith.mulf %get3A_225, %get3A_195 : vector<16xf32>
        %add3A_227 = arith.addf %scan3A_191, %mul3A_226 : vector<16xf32>
        scf.yield %add3A_203, %add3A_211, %add3A_219, %add3A_227 : vector<16xf32>, vector<16xf32>, vector<16xf32>, vector<16xf32>
      }
      %scan3A_134 = arith.constant 625 : i32
      %reduce_sum3A_135 = arith.constant true
      %reduce_sum3A_136 = vector.broadcast %reduce_sum3A_135 : i1 to vector<16xi1>
      %reduce_sum3A_137 = tpu.scan <sum>, %scan3A_133#0 masked %reduce_sum3A_136 : vector<16xf32>, vector<16xi1> -> vector<16xf32>
      %reduce_sum3A_138 = vector.extract %reduce_sum3A_137[15] : f32 from vector<16xf32>
      %get3A_139 = arith.constant 0 : i32
      %get3A_140 = arith.index_cast %get3A_139 : i32 to index
      %get3A_141 = memref.load %arg11[%get3A_140] : memref<1xf32, #tpu.memory_space<smem>>
      %gt3A_142 = arith.cmpf ogt, %reduce_sum3A_138, %get3A_141 : f32
      %convert_element_type3A_143 = arith.extui %gt3A_142 : i1 to i32
      %cond3A_144 = arith.constant 0 : i32
      %cond3A_145 = arith.cmpi ne, %convert_element_type3A_143, %cond3A_144 : i32
      scf.if %cond3A_145 {
        %swap3A_187 = arith.constant 0 : i32
        %swap3A_188 = arith.index_cast %swap3A_187 : i32 to index
        %swap3A_189 = memref.load %arg11[%swap3A_188] : memref<1xf32, #tpu.memory_space<smem>>
        memref.store %reduce_sum3A_138, %arg11[%swap3A_188] : memref<1xf32, #tpu.memory_space<smem>>
        %mul3A_190 = arith.constant 4 : i32
        %mul3A_191 = arith.muli %add3A_113, %mul3A_190 : i32
        %add3A_192 = arith.addi %mul3A_2, %mul3A_191 : i32
        %add3A_193 = arith.constant 0 : i32
        %add3A_194 = arith.addi %add3A_192, %add3A_193 : i32
        %swap3A_195 = arith.constant 0 : i32
        %swap3A_196 = arith.index_cast %swap3A_195 : i32 to index
        %swap3A_197 = memref.load %arg12[%swap3A_196] : memref<1xi32, #tpu.memory_space<smem>>
        memref.store %add3A_194, %arg12[%swap3A_196] : memref<1xi32, #tpu.memory_space<smem>>
        %broadcast_in_dim3A_198 = arith.constant 0.000000e+00 : f32
        %broadcast_in_dim3A_199 = vector.broadcast %broadcast_in_dim3A_198 : f32 to vector<16xf32>
        %scan3A_200 = arith.constant 0 : i32
        %scan3A_201 = arith.constant 625 : i32
        %scan3A_202 = arith.addi %scan3A_200, %scan3A_201 : i32
        %scan3A_203 = arith.constant 1 : i32
        %scan3A_204 = scf.for %scan3A_208 = %scan3A_200 to %scan3A_202 step %scan3A_203 iter_args(%scan3A_209 = %broadcast_in_dim3A_199) -> (vector<16xf32>)  : i32 {
          %mul3A_210 = arith.constant 16 : i32
          %mul3A_211 = arith.muli %scan3A_208, %mul3A_210 : i32
          %get3A_212 = arith.constant 0 : i32
          %get3A_213 = arith.index_cast %get3A_212 : i32 to index
          %get3A_214 = arith.index_cast %mul3A_211 : i32 to index
          %get3A_215 = tpu.vector_load %arg8[%get3A_213, %get3A_214] {strides = array<i32>} : memref<4x10000xf32, #tpu.memory_space<vmem>>, vector<16xf32>,
          %mul3A_216 = arith.constant 16 : i32
          %mul3A_217 = arith.muli %scan3A_208, %mul3A_216 : i32
          %swap3A_218 = arith.index_cast %mul3A_217 : i32 to index
          %swap3A_219 = tpu.vector_load %arg9[%swap3A_218] {strides = array<i32>} : memref<10000xf32, #tpu.memory_space<vmem>>, vector<16xf32>,
          tpu.vector_store %arg9[%swap3A_218], %get3A_215 {strides = array<i32>} : memref<10000xf32, #tpu.memory_space<vmem>>, vector<16xf32>,
          %mul3A_220 = arith.mulf %get3A_215, %get3A_215 : vector<16xf32>
          %add3A_221 = arith.addf %scan3A_209, %mul3A_220 : vector<16xf32>
          scf.yield %add3A_221 : vector<16xf32>
        }
        %scan3A_205 = arith.constant 625 : i32
        %swap3A_206 = arith.constant 16 : index
        %swap3A_207 = tpu.vector_load %arg10[%swap3A_206] {strides = array<i32>} : memref<48xf32, #tpu.memory_space<vmem>>, vector<16xf32>,
        tpu.vector_store %arg10[%swap3A_206], %scan3A_204 {strides = array<i32>} : memref<48xf32, #tpu.memory_space<vmem>>, vector<16xf32>,
      } else {
      }
      %reduce_sum3A_146 = arith.constant true
      %reduce_sum3A_147 = vector.broadcast %reduce_sum3A_146 : i1 to vector<16xi1>
      %reduce_sum3A_148 = tpu.scan <sum>, %scan3A_133#1 masked %reduce_sum3A_147 : vector<16xf32>, vector<16xi1> -> vector<16xf32>
      %reduce_sum3A_149 = vector.extract %reduce_sum3A_148[15] : f32 from vector<16xf32>
      %get3A_150 = arith.constant 0 : i32
      %get3A_151 = arith.index_cast %get3A_150 : i32 to index
      %get3A_152 = memref.load %arg11[%get3A_151] : memref<1xf32, #tpu.memory_space<smem>>
      %gt3A_153 = arith.cmpf ogt, %reduce_sum3A_149, %get3A_152 : f32
      %convert_element_type3A_154 = arith.extui %gt3A_153 : i1 to i32
      %cond3A_155 = arith.constant 0 : i32
      %cond3A_156 = arith.cmpi ne, %convert_element_type3A_154, %cond3A_155 : i32
      scf.if %cond3A_156 {
        %swap3A_187 = arith.constant 0 : i32
        %swap3A_188 = arith.index_cast %swap3A_187 : i32 to index
        %swap3A_189 = memref.load %arg11[%swap3A_188] : memref<1xf32, #tpu.memory_space<smem>>
        memref.store %reduce_sum3A_149, %arg11[%swap3A_188] : memref<1xf32, #tpu.memory_space<smem>>
        %mul3A_190 = arith.constant 4 : i32
        %mul3A_191 = arith.muli %add3A_113, %mul3A_190 : i32
        %add3A_192 = arith.addi %mul3A_2, %mul3A_191 : i32
        %add3A_193 = arith.constant 1 : i32
        %add3A_194 = arith.addi %add3A_192, %add3A_193 : i32
        %swap3A_195 = arith.constant 0 : i32
        %swap3A_196 = arith.index_cast %swap3A_195 : i32 to index
        %swap3A_197 = memref.load %arg12[%swap3A_196] : memref<1xi32, #tpu.memory_space<smem>>
        memref.store %add3A_194, %arg12[%swap3A_196] : memref<1xi32, #tpu.memory_space<smem>>
        %broadcast_in_dim3A_198 = arith.constant 0.000000e+00 : f32
        %broadcast_in_dim3A_199 = vector.broadcast %broadcast_in_dim3A_198 : f32 to vector<16xf32>
        %scan3A_200 = arith.constant 0 : i32
        %scan3A_201 = arith.constant 625 : i32
        %scan3A_202 = arith.addi %scan3A_200, %scan3A_201 : i32
        %scan3A_203 = arith.constant 1 : i32
        %scan3A_204 = scf.for %scan3A_208 = %scan3A_200 to %scan3A_202 step %scan3A_203 iter_args(%scan3A_209 = %broadcast_in_dim3A_199) -> (vector<16xf32>)  : i32 {
          %mul3A_210 = arith.constant 16 : i32
          %mul3A_211 = arith.muli %scan3A_208, %mul3A_210 : i32
          %get3A_212 = arith.constant 1 : i32
          %get3A_213 = arith.index_cast %get3A_212 : i32 to index
          %get3A_214 = arith.index_cast %mul3A_211 : i32 to index
          %get3A_215 = tpu.vector_load %arg8[%get3A_213, %get3A_214] {strides = array<i32>} : memref<4x10000xf32, #tpu.memory_space<vmem>>, vector<16xf32>,
          %mul3A_216 = arith.constant 16 : i32
          %mul3A_217 = arith.muli %scan3A_208, %mul3A_216 : i32
          %swap3A_218 = arith.index_cast %mul3A_217 : i32 to index
          %swap3A_219 = tpu.vector_load %arg9[%swap3A_218] {strides = array<i32>} : memref<10000xf32, #tpu.memory_space<vmem>>, vector<16xf32>,
          tpu.vector_store %arg9[%swap3A_218], %get3A_215 {strides = array<i32>} : memref<10000xf32, #tpu.memory_space<vmem>>, vector<16xf32>,
          %mul3A_220 = arith.mulf %get3A_215, %get3A_215 : vector<16xf32>
          %add3A_221 = arith.addf %scan3A_209, %mul3A_220 : vector<16xf32>
          scf.yield %add3A_221 : vector<16xf32>
        }
        %scan3A_205 = arith.constant 625 : i32
        %swap3A_206 = arith.constant 16 : index
        %swap3A_207 = tpu.vector_load %arg10[%swap3A_206] {strides = array<i32>} : memref<48xf32, #tpu.memory_space<vmem>>, vector<16xf32>,
        tpu.vector_store %arg10[%swap3A_206], %scan3A_204 {strides = array<i32>} : memref<48xf32, #tpu.memory_space<vmem>>, vector<16xf32>,
      } else {
      }
      %reduce_sum3A_157 = arith.constant true
      %reduce_sum3A_158 = vector.broadcast %reduce_sum3A_157 : i1 to vector<16xi1>
      %reduce_sum3A_159 = tpu.scan <sum>, %scan3A_133#2 masked %reduce_sum3A_158 : vector<16xf32>, vector<16xi1> -> vector<16xf32>
      %reduce_sum3A_160 = vector.extract %reduce_sum3A_159[15] : f32 from vector<16xf32>
      %get3A_161 = arith.constant 0 : i32
      %get3A_162 = arith.index_cast %get3A_161 : i32 to index
      %get3A_163 = memref.load %arg11[%get3A_162] : memref<1xf32, #tpu.memory_space<smem>>
      %gt3A_164 = arith.cmpf ogt, %reduce_sum3A_160, %get3A_163 : f32
      %convert_element_type3A_165 = arith.extui %gt3A_164 : i1 to i32
      %cond3A_166 = arith.constant 0 : i32
      %cond3A_167 = arith.cmpi ne, %convert_element_type3A_165, %cond3A_166 : i32
      scf.if %cond3A_167 {
        %swap3A_187 = arith.constant 0 : i32
        %swap3A_188 = arith.index_cast %swap3A_187 : i32 to index
        %swap3A_189 = memref.load %arg11[%swap3A_188] : memref<1xf32, #tpu.memory_space<smem>>
        memref.store %reduce_sum3A_160, %arg11[%swap3A_188] : memref<1xf32, #tpu.memory_space<smem>>
        %mul3A_190 = arith.constant 4 : i32
        %mul3A_191 = arith.muli %add3A_113, %mul3A_190 : i32
        %add3A_192 = arith.addi %mul3A_2, %mul3A_191 : i32
        %add3A_193 = arith.constant 2 : i32
        %add3A_194 = arith.addi %add3A_192, %add3A_193 : i32
        %swap3A_195 = arith.constant 0 : i32
        %swap3A_196 = arith.index_cast %swap3A_195 : i32 to index
        %swap3A_197 = memref.load %arg12[%swap3A_196] : memref<1xi32, #tpu.memory_space<smem>>
        memref.store %add3A_194, %arg12[%swap3A_196] : memref<1xi32, #tpu.memory_space<smem>>
        %broadcast_in_dim3A_198 = arith.constant 0.000000e+00 : f32
        %broadcast_in_dim3A_199 = vector.broadcast %broadcast_in_dim3A_198 : f32 to vector<16xf32>
        %scan3A_200 = arith.constant 0 : i32
        %scan3A_201 = arith.constant 625 : i32
        %scan3A_202 = arith.addi %scan3A_200, %scan3A_201 : i32
        %scan3A_203 = arith.constant 1 : i32
        %scan3A_204 = scf.for %scan3A_208 = %scan3A_200 to %scan3A_202 step %scan3A_203 iter_args(%scan3A_209 = %broadcast_in_dim3A_199) -> (vector<16xf32>)  : i32 {
          %mul3A_210 = arith.constant 16 : i32
          %mul3A_211 = arith.muli %scan3A_208, %mul3A_210 : i32
          %get3A_212 = arith.constant 2 : i32
          %get3A_213 = arith.index_cast %get3A_212 : i32 to index
          %get3A_214 = arith.index_cast %mul3A_211 : i32 to index
          %get3A_215 = tpu.vector_load %arg8[%get3A_213, %get3A_214] {strides = array<i32>} : memref<4x10000xf32, #tpu.memory_space<vmem>>, vector<16xf32>,
          %mul3A_216 = arith.constant 16 : i32
          %mul3A_217 = arith.muli %scan3A_208, %mul3A_216 : i32
          %swap3A_218 = arith.index_cast %mul3A_217 : i32 to index
          %swap3A_219 = tpu.vector_load %arg9[%swap3A_218] {strides = array<i32>} : memref<10000xf32, #tpu.memory_space<vmem>>, vector<16xf32>,
          tpu.vector_store %arg9[%swap3A_218], %get3A_215 {strides = array<i32>} : memref<10000xf32, #tpu.memory_space<vmem>>, vector<16xf32>,
          %mul3A_220 = arith.mulf %get3A_215, %get3A_215 : vector<16xf32>
          %add3A_221 = arith.addf %scan3A_209, %mul3A_220 : vector<16xf32>
          scf.yield %add3A_221 : vector<16xf32>
        }
        %scan3A_205 = arith.constant 625 : i32
        %swap3A_206 = arith.constant 16 : index
        %swap3A_207 = tpu.vector_load %arg10[%swap3A_206] {strides = array<i32>} : memref<48xf32, #tpu.memory_space<vmem>>, vector<16xf32>,
        tpu.vector_store %arg10[%swap3A_206], %scan3A_204 {strides = array<i32>} : memref<48xf32, #tpu.memory_space<vmem>>, vector<16xf32>,
      } else {
      }
      %reduce_sum3A_168 = arith.constant true
      %reduce_sum3A_169 = vector.broadcast %reduce_sum3A_168 : i1 to vector<16xi1>
      %reduce_sum3A_170 = tpu.scan <sum>, %scan3A_133#3 masked %reduce_sum3A_169 : vector<16xf32>, vector<16xi1> -> vector<16xf32>
      %reduce_sum3A_171 = vector.extract %reduce_sum3A_170[15] : f32 from vector<16xf32>
      %get3A_172 = arith.constant 0 : i32
      %get3A_173 = arith.index_cast %get3A_172 : i32 to index
      %get3A_174 = memref.load %arg11[%get3A_173] : memref<1xf32, #tpu.memory_space<smem>>
      %gt3A_175 = arith.cmpf ogt, %reduce_sum3A_171, %get3A_174 : f32
      %convert_element_type3A_176 = arith.extui %gt3A_175 : i1 to i32
      %cond3A_177 = arith.constant 0 : i32
      %cond3A_178 = arith.cmpi ne, %convert_element_type3A_176, %cond3A_177 : i32
      scf.if %cond3A_178 {
        %swap3A_187 = arith.constant 0 : i32
        %swap3A_188 = arith.index_cast %swap3A_187 : i32 to index
        %swap3A_189 = memref.load %arg11[%swap3A_188] : memref<1xf32, #tpu.memory_space<smem>>
        memref.store %reduce_sum3A_171, %arg11[%swap3A_188] : memref<1xf32, #tpu.memory_space<smem>>
        %mul3A_190 = arith.constant 4 : i32
        %mul3A_191 = arith.muli %add3A_113, %mul3A_190 : i32
        %add3A_192 = arith.addi %mul3A_2, %mul3A_191 : i32
        %add3A_193 = arith.constant 3 : i32
        %add3A_194 = arith.addi %add3A_192, %add3A_193 : i32
        %swap3A_195 = arith.constant 0 : i32
        %swap3A_196 = arith.index_cast %swap3A_195 : i32 to index
        %swap3A_197 = memref.load %arg12[%swap3A_196] : memref<1xi32, #tpu.memory_space<smem>>
        memref.store %add3A_194, %arg12[%swap3A_196] : memref<1xi32, #tpu.memory_space<smem>>
        %broadcast_in_dim3A_198 = arith.constant 0.000000e+00 : f32
        %broadcast_in_dim3A_199 = vector.broadcast %broadcast_in_dim3A_198 : f32 to vector<16xf32>
        %scan3A_200 = arith.constant 0 : i32
        %scan3A_201 = arith.constant 625 : i32
        %scan3A_202 = arith.addi %scan3A_200, %scan3A_201 : i32
        %scan3A_203 = arith.constant 1 : i32
        %scan3A_204 = scf.for %scan3A_208 = %scan3A_200 to %scan3A_202 step %scan3A_203 iter_args(%scan3A_209 = %broadcast_in_dim3A_199) -> (vector<16xf32>)  : i32 {
          %mul3A_210 = arith.constant 16 : i32
          %mul3A_211 = arith.muli %scan3A_208, %mul3A_210 : i32
          %get3A_212 = arith.constant 3 : i32
          %get3A_213 = arith.index_cast %get3A_212 : i32 to index
          %get3A_214 = arith.index_cast %mul3A_211 : i32 to index
          %get3A_215 = tpu.vector_load %arg8[%get3A_213, %get3A_214] {strides = array<i32>} : memref<4x10000xf32, #tpu.memory_space<vmem>>, vector<16xf32>,
          %mul3A_216 = arith.constant 16 : i32
          %mul3A_217 = arith.muli %scan3A_208, %mul3A_216 : i32
          %swap3A_218 = arith.index_cast %mul3A_217 : i32 to index
          %swap3A_219 = tpu.vector_load %arg9[%swap3A_218] {strides = array<i32>} : memref<10000xf32, #tpu.memory_space<vmem>>, vector<16xf32>,
          tpu.vector_store %arg9[%swap3A_218], %get3A_215 {strides = array<i32>} : memref<10000xf32, #tpu.memory_space<vmem>>, vector<16xf32>,
          %mul3A_220 = arith.mulf %get3A_215, %get3A_215 : vector<16xf32>
          %add3A_221 = arith.addf %scan3A_209, %mul3A_220 : vector<16xf32>
          scf.yield %add3A_221 : vector<16xf32>
        }
        %scan3A_205 = arith.constant 625 : i32
        %swap3A_206 = arith.constant 16 : index
        %swap3A_207 = tpu.vector_load %arg10[%swap3A_206] {strides = array<i32>} : memref<48xf32, #tpu.memory_space<vmem>>, vector<16xf32>,
        tpu.vector_store %arg10[%swap3A_206], %scan3A_204 {strides = array<i32>} : memref<48xf32, #tpu.memory_space<vmem>>, vector<16xf32>,
      } else {
      }
      %add3A_179 = arith.constant 2 : i32
      %add3A_180 = arith.addi %add3A_113, %add3A_179 : i32
      %lt3A_181 = arith.constant 64 : i32
      %lt3A_182 = arith.cmpi slt, %add3A_180, %lt3A_181 : i32
      %convert_element_type3A_183 = arith.extui %lt3A_182 : i1 to i32
      %cond3A_184 = arith.constant 0 : i32
      %cond3A_185 = arith.cmpi ne, %convert_element_type3A_183, %cond3A_184 : i32
      scf.if %cond3A_185 {
        %add3A_187 = arith.constant 2 : i32
        %add3A_188 = arith.addi %add3A_113, %add3A_187 : i32
        %mul3A_189 = arith.constant 4 : i32
        %mul3A_190 = arith.muli %add3A_188, %mul3A_189 : i32
        %add3A_191 = arith.addi %mul3A_2, %mul3A_190 : i32
        %dma_start3A_192 = arith.constant 0 : i32
        %dma_start3A_193 = tpu.memref_slice %arg3[%add3A_191, %dma_start3A_192] : memref<8192x10000xf32, #tpu.memory_space<hbm>> -> memref<4x10000xf32, #tpu.memory_space<hbm>>
        %dma_start3A_194 = arith.constant 0 : i32
        %dma_start3A_195 = tpu.memref_slice %arg3[%add3A_191, %dma_start3A_194] : memref<8192x10000xf32, #tpu.memory_space<hbm>> -> memref<4x10000xf32, #tpu.memory_space<hbm>>
        tpu.enqueue_dma source(%dma_start3A_195 : memref<4x10000xf32, #tpu.memory_space<hbm>>) target(%arg8 : memref<4x10000xf32, #tpu.memory_space<vmem>>) target_semaphore(%arg14 : memref<!tpu.dma_semaphore, #tpu.memory_space<semaphore_mem>>)
      } else {
      }
      %scan3A_186 = arith.constant 0 : i32
      scf.yield %scan3A_186 : i32
    }
    %scan3A_26 = arith.constant 32 : i32
    %get3A = arith.constant 0 : i32
    %get3A_27 = arith.index_cast %get3A : i32 to index
    %get3A_28 = memref.load %arg11[%get3A_27] : memref<1xf32, #tpu.memory_space<smem>>
    %broadcast_in_dim3A = vector.broadcast %get3A_28 : f32 to vector<16xf32>
    %swap3A_29 = arith.constant 0 : index
    %swap3A_30 = tpu.vector_load %arg10[%swap3A_29] {strides = array<i32>} : memref<48xf32, #tpu.memory_space<vmem>>, vector<16xf32>,
    tpu.vector_store %arg10[%swap3A_29], %broadcast_in_dim3A {strides = array<i32>} : memref<48xf32, #tpu.memory_space<vmem>>, vector<16xf32>,
    %get3A_31 = arith.constant 0 : i32
    %get3A_32 = arith.index_cast %get3A_31 : i32 to index
    %get3A_33 = memref.load %arg12[%get3A_32] : memref<1xi32, #tpu.memory_space<smem>>
    %convert_element_type3A = arith.sitofp %get3A_33 : i32 to f32
    %broadcast_in_dim3A_34 = vector.broadcast %convert_element_type3A : f32 to vector<16xf32>
    %swap3A_35 = arith.constant 32 : index
    %swap3A_36 = tpu.vector_load %arg10[%swap3A_35] {strides = array<i32>} : memref<48xf32, #tpu.memory_space<vmem>>, vector<16xf32>,
    tpu.vector_store %arg10[%swap3A_35], %broadcast_in_dim3A_34 {strides = array<i32>} : memref<48xf32, #tpu.memory_space<vmem>>, vector<16xf32>,
    "tpu.region"() ({
      %run_scoped3A = tpu.sem_alloc : memref<!tpu.dma_semaphore, #tpu.memory_space<semaphore_mem>>
      %dma_start3A_37 = arith.constant 0 : i32
      %dma_start3A_38 = tpu.memref_slice %arg4[%add3A, %dma_start3A_37] : memref<32x10000xf32, #tpu.memory_space<hbm>> -> memref<1x10000xf32, #tpu.memory_space<hbm>>
      %dma_start3A_39 = tpu.memref_squeeze %dma_start3A_38 : memref<1x10000xf32, #tpu.memory_space<hbm>> -> memref<10000xf32, #tpu.memory_space<hbm>>
      %dma_start3A_40 = arith.constant 0 : i32
      %dma_start3A_41 = tpu.memref_slice %arg4[%add3A, %dma_start3A_40] : memref<32x10000xf32, #tpu.memory_space<hbm>> -> memref<1x10000xf32, #tpu.memory_space<hbm>>
      %dma_start3A_42 = tpu.memref_squeeze %dma_start3A_41 : memref<1x10000xf32, #tpu.memory_space<hbm>> -> memref<10000xf32, #tpu.memory_space<hbm>>
      tpu.enqueue_dma source(%arg9 : memref<10000xf32, #tpu.memory_space<vmem>>) target(%dma_start3A_42 : memref<10000xf32, #tpu.memory_space<hbm>>) target_semaphore(%run_scoped3A : memref<!tpu.dma_semaphore, #tpu.memory_space<semaphore_mem>>)
      %dma_wait3A = arith.constant 0 : i32
      %dma_wait3A_43 = tpu.memref_slice %arg4[%add3A, %dma_wait3A] : memref<32x10000xf32, #tpu.memory_space<hbm>> -> memref<1x10000xf32, #tpu.memory_space<hbm>>
      %dma_wait3A_44 = tpu.memref_squeeze %dma_wait3A_43 : memref<1x10000xf32, #tpu.memory_space<hbm>> -> memref<10000xf32, #tpu.memory_space<hbm>>
      %dma_wait3A_45 = arith.constant 0 : i32
      %dma_wait3A_46 = tpu.memref_slice %arg4[%add3A, %dma_wait3A_45] : memref<32x10000xf32, #tpu.memory_space<hbm>> -> memref<1x10000xf32, #tpu.memory_space<hbm>>
      %dma_wait3A_47 = tpu.memref_squeeze %dma_wait3A_46 : memref<1x10000xf32, #tpu.memory_space<hbm>> -> memref<10000xf32, #tpu.memory_space<hbm>>
      tpu.wait_dma2 semaphore(%run_scoped3A : memref<!tpu.dma_semaphore, #tpu.memory_space<semaphore_mem>>) src(%arg9 : memref<10000xf32, #tpu.memory_space<vmem>>) dst(%dma_wait3A_47 : memref<10000xf32, #tpu.memory_space<hbm>>)
      tpu.yield
    }) : () -> ()
    "tpu.region"() ({
      %run_scoped3A = tpu.sem_alloc : memref<!tpu.dma_semaphore, #tpu.memory_space<semaphore_mem>>
      %dma_start3A_37 = arith.constant 0 : i32
      %dma_start3A_38 = tpu.memref_slice %arg5[%add3A, %dma_start3A_37] : memref<32x48xf32, #tpu.memory_space<hbm>> -> memref<1x48xf32, #tpu.memory_space<hbm>>
      %dma_start3A_39 = tpu.memref_squeeze %dma_start3A_38 : memref<1x48xf32, #tpu.memory_space<hbm>> -> memref<48xf32, #tpu.memory_space<hbm>>
      %dma_start3A_40 = arith.constant 0 : i32
      %dma_start3A_41 = tpu.memref_slice %arg5[%add3A, %dma_start3A_40] : memref<32x48xf32, #tpu.memory_space<hbm>> -> memref<1x48xf32, #tpu.memory_space<hbm>>
      %dma_start3A_42 = tpu.memref_squeeze %dma_start3A_41 : memref<1x48xf32, #tpu.memory_space<hbm>> -> memref<48xf32, #tpu.memory_space<hbm>>
      tpu.enqueue_dma source(%arg10 : memref<48xf32, #tpu.memory_space<vmem>>) target(%dma_start3A_42 : memref<48xf32, #tpu.memory_space<hbm>>) target_semaphore(%run_scoped3A : memref<!tpu.dma_semaphore, #tpu.memory_space<semaphore_mem>>)
      %dma_wait3A = arith.constant 0 : i32
      %dma_wait3A_43 = tpu.memref_slice %arg5[%add3A, %dma_wait3A] : memref<32x48xf32, #tpu.memory_space<hbm>> -> memref<1x48xf32, #tpu.memory_space<hbm>>
      %dma_wait3A_44 = tpu.memref_squeeze %dma_wait3A_43 : memref<1x48xf32, #tpu.memory_space<hbm>> -> memref<48xf32, #tpu.memory_space<hbm>>
      %dma_wait3A_45 = arith.constant 0 : i32
      %dma_wait3A_46 = tpu.memref_slice %arg5[%add3A, %dma_wait3A_45] : memref<32x48xf32, #tpu.memory_space<hbm>> -> memref<1x48xf32, #tpu.memory_space<hbm>>
      %dma_wait3A_47 = tpu.memref_squeeze %dma_wait3A_46 : memref<1x48xf32, #tpu.memory_space<hbm>> -> memref<48xf32, #tpu.memory_space<hbm>>
      tpu.wait_dma2 semaphore(%run_scoped3A : memref<!tpu.dma_semaphore, #tpu.memory_space<semaphore_mem>>) src(%arg10 : memref<48xf32, #tpu.memory_space<vmem>>) dst(%dma_wait3A_47 : memref<48xf32, #tpu.memory_space<hbm>>)
      tpu.yield
    }) : () -> ()
    return
  }
}

module attributes {stable_mosaic.version = 14 : i64} {
  func.func @_merge_body(%arg0: memref<32x48xf32, #tpu.memory_space<vmem>>, %arg1: memref<32x10000xf32, #tpu.memory_space<vmem>>, %arg2: memref<1x10000xf32, #tpu.memory_space<vmem>>, %arg3: memref<1x10000xf32, #tpu.memory_space<vmem>>, %arg4: memref<1x1xi32, #tpu.memory_space<smem>>, %arg5: memref<1x1xf32, #tpu.memory_space<smem>>) attributes {dimension_semantics = [], scalar_prefetch = 0 : i64, scratch_operands = 0 : i64, tpu.core_type = #tpu.core_type<tc>} {
    %get3A = arith.constant 0 : index
    %get3A_0 = arith.constant 0 : index
    %get3A_1 = vector.load %arg0[%get3A, %get3A_0] : memref<32x48xf32, #tpu.memory_space<vmem>>, vector<32x48xf32>
    %slice3A = vector.extract_strided_slice %get3A_1 {offsets = [0, 0], sizes = [32, 1], strides = [1, 1]} : vector<32x48xf32> to vector<32x1xf32>
    %slice3A_2 = vector.extract_strided_slice %get3A_1 {offsets = [0, 32], sizes = [32, 1], strides = [1, 1]} : vector<32x48xf32> to vector<32x1xf32>
    %reduce_max3A = vector.shape_cast %slice3A : vector<32x1xf32> to vector<1x32x1xf32>
    %reduce_max3A_3 = arith.constant dense<0xFF800000> : vector<1xf32>
    %reduce_max3A_4 = vector.multi_reduction <maximumf>, %reduce_max3A, %reduce_max3A_3 [1, 2] : vector<1x32x1xf32> to vector<1xf32>
    %reduce_max3A_5 = vector.shape_cast %reduce_max3A_4 : vector<1xf32> to vector<1x1x1xf32>
    %reduce_max3A_6 = vector.extract %reduce_max3A_5[0, 0, 0] : f32 from vector<1x1x1xf32>
    %eq3A = vector.broadcast %reduce_max3A_6 : f32 to vector<32x1xf32>
    %eq3A_7 = arith.cmpf oeq, %slice3A, %eq3A : vector<32x1xf32>
    %jit3A = arith.constant 8.192000e+03 : f32
    %broadcast_in_dim3A = vector.broadcast %jit3A : f32 to vector<32x1xf32>
    %select_n3A = arith.select %eq3A_7, %slice3A_2, %broadcast_in_dim3A : vector<32x1xi1>, vector<32x1xf32>
    %reduce_min3A = vector.shape_cast %select_n3A : vector<32x1xf32> to vector<1x32x1xf32>
    %reduce_min3A_8 = arith.constant dense<0x7F800000> : vector<1xf32>
    %reduce_min3A_9 = vector.multi_reduction <minimumf>, %reduce_min3A, %reduce_min3A_8 [1, 2] : vector<1x32x1xf32> to vector<1xf32>
    %reduce_min3A_10 = vector.shape_cast %reduce_min3A_9 : vector<1xf32> to vector<1x1x1xf32>
    %reduce_min3A_11 = vector.extract %reduce_min3A_10[0, 0, 0] : f32 from vector<1x1x1xf32>
    %iota3A = tpu.iota {dimensions = array<i32: 0>} : vector<32x1xi32>
    %eq3A_12 = vector.broadcast %reduce_max3A_6 : f32 to vector<32x1xf32>
    %eq3A_13 = arith.cmpf oeq, %slice3A, %eq3A_12 : vector<32x1xf32>
    %eq3A_14 = vector.broadcast %reduce_min3A_11 : f32 to vector<32x1xf32>
    %eq3A_15 = arith.cmpf oeq, %slice3A_2, %eq3A_14 : vector<32x1xf32>
    %and3A = arith.andi %eq3A_13, %eq3A_15 : vector<32x1xi1>
    %jit3A_16 = arith.constant 32 : i32
    %broadcast_in_dim3A_17 = vector.broadcast %jit3A_16 : i32 to vector<32x1xi32>
    %select_n3A_18 = arith.select %and3A, %iota3A, %broadcast_in_dim3A_17 : vector<32x1xi1>, vector<32x1xi32>
    %reduce_min3A_19 = vector.shape_cast %select_n3A_18 : vector<32x1xi32> to vector<1x32x1xi32>
    %reduce_min3A_20 = arith.constant dense<2147483647> : vector<1xi32>
    %reduce_min3A_21 = vector.multi_reduction <minsi>, %reduce_min3A_19, %reduce_min3A_20 [1, 2] : vector<1x32x1xi32> to vector<1xi32>
    %reduce_min3A_22 = vector.shape_cast %reduce_min3A_21 : vector<1xi32> to vector<1x1x1xi32>
    %reduce_min3A_23 = vector.extract %reduce_min3A_22[0, 0, 0] : i32 from vector<1x1x1xi32>
    %slice3A_24 = vector.extract_strided_slice %get3A_1 {offsets = [0, 16], sizes = [32, 16], strides = [1, 1]} : vector<32x48xf32> to vector<32x16xf32>
    %eq3A_25 = vector.broadcast %reduce_min3A_23 : i32 to vector<32x1xi32>
    %eq3A_26 = arith.cmpi eq, %iota3A, %eq3A_25 : vector<32x1xi32>
    %convert_element_type3A = arith.extui %eq3A_26 : vector<32x1xi1> to vector<32x1xi32>
    %convert_element_type3A_27 = arith.sitofp %convert_element_type3A : vector<32x1xi32> to vector<32x1xf32>
    %mul3A = vector.broadcast %convert_element_type3A_27 : vector<32x1xf32> to vector<32x16xf32>
    %mul3A_28 = arith.mulf %slice3A_24, %mul3A : vector<32x16xf32>
    %reduce_sum3A = vector.shape_cast %mul3A_28 : vector<32x16xf32> to vector<1x32x16xf32>
    %reduce_sum3A_29 = arith.constant dense<0.000000e+00> : vector<1xf32>
    %reduce_sum3A_30 = vector.multi_reduction <add>, %reduce_sum3A, %reduce_sum3A_29 [1, 2] : vector<1x32x16xf32> to vector<1xf32>
    %reduce_sum3A_31 = vector.shape_cast %reduce_sum3A_30 : vector<1xf32> to vector<1x1x1xf32>
    %reduce_sum3A_32 = vector.extract %reduce_sum3A_31[0, 0, 0] : f32 from vector<1x1x1xf32>
    %get3A_33 = arith.index_cast %reduce_min3A_23 : i32 to index
    %get3A_34 = arith.constant 0 : index
    %get3A_35 = vector.load %arg1[%get3A_33, %get3A_34] : memref<32x10000xf32, #tpu.memory_space<vmem>>, vector<1x10000xf32>
    %swap3A = arith.constant 0 : index
    %swap3A_36 = arith.constant 0 : index
    %swap3A_37 = vector.load %arg3[%swap3A, %swap3A_36] : memref<1x10000xf32, #tpu.memory_space<vmem>>, vector<1x10000xf32>
    tpu.vector_store %arg3[%swap3A, %swap3A_36], %get3A_35 {strides = array<i32>} : memref<1x10000xf32, #tpu.memory_space<vmem>>, vector<1x10000xf32>,
    %get3A_38 = arith.constant 0 : index
    %get3A_39 = arith.constant 0 : index
    %get3A_40 = vector.load %arg2[%get3A_38, %get3A_39] : memref<1x10000xf32, #tpu.memory_space<vmem>>, vector<1x10000xf32>
    %sqrt3A = math.sqrt %reduce_sum3A_32 : f32
    %max3A = arith.constant 9.99999993E-9 : f32
    %max3A_41 = arith.maximumf %sqrt3A, %max3A : f32
    %mul3A_42 = arith.mulf %get3A_40, %get3A_40 : vector<1x10000xf32>
    %reduce_sum3A_43 = vector.shape_cast %mul3A_42 : vector<1x10000xf32> to vector<1x1x10000xf32>
    %reduce_sum3A_44 = arith.constant dense<0.000000e+00> : vector<1xf32>
    %reduce_sum3A_45 = vector.multi_reduction <add>, %reduce_sum3A_43, %reduce_sum3A_44 [1, 2] : vector<1x1x10000xf32> to vector<1xf32>
    %reduce_sum3A_46 = vector.shape_cast %reduce_sum3A_45 : vector<1xf32> to vector<1x1x1xf32>
    %reduce_sum3A_47 = vector.extract %reduce_sum3A_46[0, 0, 0] : f32 from vector<1x1x1xf32>
    %sqrt3A_48 = math.sqrt %reduce_sum3A_47 : f32
    %max3A_49 = arith.constant 9.99999993E-9 : f32
    %max3A_50 = arith.maximumf %sqrt3A_48, %max3A_49 : f32
    %convert_element_type3A_51 = arith.fptosi %reduce_min3A_11 : f32 to i32
    %swap3A_52 = arith.constant 0 : index
    %swap3A_53 = arith.constant 0 : index
    %swap3A_54 = memref.load %arg4[%swap3A_52, %swap3A_53] : memref<1x1xi32, #tpu.memory_space<smem>>
    memref.store %convert_element_type3A_51, %arg4[%swap3A_52, %swap3A_53] : memref<1x1xi32, #tpu.memory_space<smem>>
    %mul3A_55 = arith.mulf %max3A_41, %max3A_50 : f32
    %div3A = arith.divf %reduce_max3A_6, %mul3A_55 : f32
    %swap3A_56 = arith.constant 0 : index
    %swap3A_57 = arith.constant 0 : index
    %swap3A_58 = memref.load %arg5[%swap3A_56, %swap3A_57] : memref<1x1xf32, #tpu.memory_space<smem>>
    memref.store %div3A, %arg5[%swap3A_56, %swap3A_57] : memref<1x1xf32, #tpu.memory_space<smem>>
    return
  }
}

</mosaic_0001>

<sc_bundles>
// kernel: kernel.4.cloned.1.call-start
scs
__scs_entry_jumppad:
0x0: {  	(pc) =	sbr.rel $0x88, $3  }
0x1: {  	(tag) =	ssettag $0x0;
	lr =	simm.s32 $0x1  }
0x2: {  	[smem:$0x3F9F] =	sst lr;
	_ =	strace $0xD0000000  }
0x3: {  	_ = 	snop  }
0x4: {  	_ = 	snop  }
0x5: {  	_ = 	snop  }
0x6: {  	_ = 	snop  }
0x7: {  	_ = 	snop  }
__scs_overlays_trampoline_lowered:
0x8: {  	[smem:$0x3FAE] =	sst s0  }
0x9: {  	[smem:$0x3FAF] =	sst s1  }
0xa: {  	[smem:$0x3FB0] =	sst s2  }
0xb: {  	[smem:$0x3FB1] =	sst s3  }
0xc: {  	[smem:$0x3FB2] =	sst s4  }
0xd: {  	[smem:$0x3FB3] =	sst s5  }
0xe: {  	[smem:$0x3FB4] =	sst s6  }
0xf: {  	[smem:$0x3FB5] =	sst s7  }
0x10: {  	[smem:$0x3FB6] =	sst s8  }
0x11: {  	[smem:$0x3FB7] =	sst s9;
	s0 =	simm.s32 @!p0 $0x0  }
0x12: {  	s1 =	sld [smem:$0x3F9D];
	s0 =	simm.s32 @p0 $0x1  }
0x13: {  	[smem:$0x3FB8] =	sst s0;
	s0 =	simm.s32 @!p1 $0x0  }
0x14: {  	s2 =	sld [smem:$0x3F9C];
	s0 =	simm.s32 @p1 $0x1  }
0x15: {  	[smem:$0x3FB9] =	sst s0;
	s0 =	simm.s32 @!p2 $0x0  }
0x16: {  	s3 =	sld [smem:$0x3FDB];
	s0 =	simm.s32 @p2 $0x1  }
0x17: {  	s4 =	simm.s32 $0x1BF5;
	[smem:$0x3FBB] =	sst s0  }
0x18: {  	s0 =	sld [smem:$0x3F9E];
	_ =	swait.ge [sflag:s4], $0x0  }
0x19: {  	s7 =	sld [smem:$0x3F9F]  }
0x1a: {  	s8 =	sadd.s32 $0xFFFFE003, lr  }
0x1b: {  	s9 =	sadd.s32 $0xFFFFFEF7, lr;
	s5 =	simm.s32 $0xFFFFFFFF;
	p2 =	slt.u32 s8, $0xFFFFF086  }
0x1c: {  	p1 =	slt.u32 s9, $0xF7A;
	s5 =	simm.s32 @!p2 $0x0  }
0x1d: {  	s5 =	simm.s32 @p1 $0x1;
	p0 =	seq.s32 s7, s2  }
0x1e: {  	s7 =	smul.u32 @!p0 $0xF7A, s2;
	p2 =	seq.s32 @!p0 s5, $0x0  }
0x1f: {  	s9 =	smul.u32 $0xF7A, s1;
	s8 =	simm.s32 @!p0 $0x1BF5;
	p2 =	por !p2, p0  }
0x20: {  	[sflag:s8] =	ssyncset.s32 @!p0 $0xFFFFF086;
	s6 =	sadd.s32 @!p0 s3, s7;
	s7 =	simm.s32 @!p0 $0x108  }
0x21: {  	s3 =	sadd.s32 s3, s9;
	s6 =	sadd.s32 @!p0 $0x88, s6;
	s7 =	simm.s32 @p2 $0x1082  }
0x22: {  	[simem:s7], [sflag:s8] =	dma.local @!p0 [hbm:s6], $0xF7A  }
0x23: {  	s9 =	sor.u32 $0xD0000000, s2;
	s6 =	simm.s32 $0x108;
	_ =	swait.ge @!p0 [sflag:s8], $0x0  }
0x24: {  	s3 =	sadd.s32 $0x88, s3;
	s6 =	simm.s32 @!p1 $0x1082;
	[sflag:s4] =	ssyncset.s32 $0xFFFFF086  }
0x25: {  	[simem:s6], [sflag:s4] =	dma.local [hbm:s3], $0xF7A  }
0x26: {  	[smem:$0x3F9F] =	sst s1;
	(tag) =	ssettag s2;
	_ =	strace s9  }
0x27: {  	s1 =	sld [smem:$0x3FAF]  }
0x28: {  	s2 =	sld [smem:$0x3FB0]  }
0x29: {  	s4 =	sld [smem:$0x3FB2]  }
0x2a: {  	p0 =	seq.s32 s5, $0x0;
	s5 =	sld [smem:$0x3FB3]  }
0x2b: {  	s6 =	sld [smem:$0x3FB4]  }
0x2c: {  	s7 =	sld [smem:$0x3FB5]  }
0x2d: {  	s3 =	simm.s32 $0x108;
	s8 =	sld [smem:$0x3FB6]  }
0x2e: {  	s3 =	simm.s32 @!p0 $0x1082;
	s9 =	sld [smem:$0x3FB7]  }
0x2f: {  	lr =	sadd.s32 s0, s3;
	s0 =	sld [smem:$0x3FAE]  }
0x30: {  	s3 =	sld [smem:$0x3FB1]  }
0x31: {  	[smem:$0x3FBA] =	sst s10  }
0x32: {  	s10 =	sld [smem:$0x3FB8];
	_ =	sdelay $0x3  }
0x33: {  	p0 =	seq.s32 s10, $0x1;
	s10 =	sld [smem:$0x3FBA];
	_ =	sdelay $0x3  }
0x34: {  	[smem:$0x3FBA] =	sst s10  }
0x35: {  	s10 =	sld [smem:$0x3FB9];
	_ =	sdelay $0x3  }
0x36: {  	p1 =	seq.s32 s10, $0x1;
	s10 =	sld [smem:$0x3FBA];
	_ =	sdelay $0x3  }
0x37: {  	[smem:$0x3FBA] =	sst s10  }
0x38: {  	s10 =	sld [smem:$0x3FBB]  }
0x39: {  	_ = 	snop;
	(pc) =	sbr.ind lr, $3  }
0x3a: {  	_ = 	snop  }
0x3b: {  	_ = 	snop  }
0x3c: {  	p2 =	seq.s32 s10, $0x1;
	s10 =	sld [smem:$0x3FBA]  }
0x3d: {  	_ =	shalt  }
0x3e: {  	_ =	shalt  }
0x3f: {  	_ =	shalt  }
0x40: {  	_ =	shalt  }
0x41: {  	_ =	shalt  }
0x42: {  	_ =	shalt  }
0x43: {  	_ =	shalt  }
0x44: {  	_ =	shalt  }
0x45: {  	_ =	shalt  }
0x46: {  	_ =	shalt  }
0x47: {  	_ =	shalt  }
0x48: {  	_ =	shalt  }
0x49: {  	_ =	shalt  }
0x4a: {  	_ =	shalt  }
0x4b: {  	_ =	shalt  }
0x4c: {  	_ =	shalt  }
0x4d: {  	_ =	shalt  }
0x4e: {  	_ =	shalt  }
0x4f: {  	_ =	shalt  }
0x50: {  	_ =	shalt  }
0x51: {  	_ =	shalt  }
0x52: {  	_ =	shalt  }
0x53: {  	_ =	shalt  }
0x54: {  	_ =	shalt  }
0x55: {  	_ =	shalt  }
0x56: {  	_ =	shalt  }
0x57: {  	_ =	shalt  }
0x58: {  	_ =	shalt  }
0x59: {  	_ =	shalt  }
0x5a: {  	_ =	shalt  }
0x5b: {  	_ =	shalt  }
0x5c: {  	_ =	shalt  }
0x5d: {  	_ =	shalt  }
0x5e: {  	_ =	shalt  }
0x5f: {  	_ =	shalt  }
0x60: {  	_ =	shalt  }
0x61: {  	_ =	shalt  }
0x62: {  	_ =	shalt  }
0x63: {  	_ =	shalt  }
0x64: {  	_ =	shalt  }
0x65: {  	_ =	shalt  }
0x66: {  	_ =	shalt  }
0x67: {  	_ =	shalt  }
0x68: {  	_ =	shalt  }
0x69: {  	_ =	shalt  }
0x6a: {  	_ =	shalt  }
0x6b: {  	_ =	shalt  }
0x6c: {  	_ =	shalt  }
0x6d: {  	_ =	shalt  }
0x6e: {  	_ =	shalt  }
0x6f: {  	_ =	shalt  }
0x70: {  	_ =	shalt  }
0x71: {  	_ =	shalt  }
0x72: {  	_ =	shalt  }
0x73: {  	_ =	shalt  }
0x74: {  	_ =	shalt  }
0x75: {  	_ =	shalt  }
0x76: {  	_ =	shalt  }
0x77: {  	_ =	shalt  }
0x78: {  	_ =	shalt  }
0x79: {  	_ =	shalt  }
0x7a: {  	_ =	shalt  }
0x7b: {  	_ =	shalt  }
0x7c: {  	_ =	shalt  }
0x7d: {  	_ =	shalt  }
0x7e: {  	_ =	shalt  }
0x7f: {  	_ =	shalt  }
0x80: {  	_ =	shalt  }
0x81: {  	_ =	shalt  }
0x82: {  	_ =	shalt  }
0x83: {  	_ =	shalt  }
0x84: {  	_ =	shalt  }
0x85: {  	_ =	shalt  }
0x86: {  	_ =	shalt  }
0x87: {  	_ =	shalt  }
.Lfunc_end0:
.L_simem_size_0:
called_computation_lowered:
.L_overlay_start_0:
0x88: {  	s2 =	sld [smem:$0x3FD9]  }
0x89: {  	s3 =	sld [smem:$0x3FFE];
	_ =	sdelay $0x1  }
0x8a: {  	s1 =	srdreg.scid  }
0x8b: {  	s0 =	sand.u32 $0x1, s1  }
0x8c: {  	s14 =	sshll.u32 s0, $0xA;
	s2 =	sadd.s32 s3, s2  }
0x8d: {  	s2 =	sadd.s32 s2, s14  }
0x8e: {  	[smem:$0x3FC6] =	sst s2  }
0x8f: {  	_ = 	snop  }
0x90: {  	s2 =	sld [smem:$0x3FD0];
	_ =	sdelay $0x2  }
0x91: {  	s4 =	simm.s32 $0xA;
	s5 =	simm.s32 $0x10;
	s15 =	sld [smem:$0x3FC9]  }
0x92: {  	[smem:s5], [sflag:s4] =	dma.local [hbm:s2], $0x1  }
0x93: {  	_ =	swait.eq [sflag:s4], $0x1  }
0x94: {  	[sflag:s4] =	ssyncset.done $0x0  }
0x95: {  	[sflag:s4] =	ssyncadd.s32 $0xFFFFFFFF  }
0x96: {  	s16 =	sld [smem:$0x10];
	(tm) =	ssettm $0x1  }
0x97: {  	s17 =	sld [smem:$0x3FFB];
	_ =	sdelay $0x3  }
0x98: {  	_ =	strace s17  }
0x99: {  	s4 =	sld [smem:$0x3FFC];
	_ =	sdelay $0x3  }
0x9a: {  	_ =	strace s4  }
0x9b: {  	s4 =	sld [smem:$0x3FFD];
	_ =	sdelay $0x3  }
0x9c: {  	_ =	strace s4  }
0x9d: {  	_ =	strace $0x8FFFFFFF  }
0x9e: {  	s18 =	sld [smem:$0x3FDB];
	_ =	sdelay $0x1  }
0x9f: {  	s19 =	simm.s32 $_scs_section_size  }
0xa0: {  	s6 =	simm.s32 $_size__tile_overlayer_lowered;
	s7 =	simm.s32 $_tile_overlayer_lowered  }
0xa1: {  	s22 =	simm.s32 $0x1BFF;
	s21 =	sshll.u32 s7, $0x1;
	s4 =	sadd.s32 s19, s18  }
0xa2: {  	s8 =	simm.s32 $0x0;
	s20 =	sshll.u32 s6, $0x1;
	s6 =	sadd.s32 s21, s4  }
0xa3: {  	[timem:s8], [sflag:s22] =	dma.local [hbm:s6], s20  }
0xa4: {  	_ =	swait.ge [sflag:s22], s20  }
0xa5: {  	s5 =	ssub.s32 $0x0, s20;
	[sflag:s22] =	ssyncset.done $0x0  }
0xa6: {  	[sflag:s22] =	ssyncadd.s32 s5;
	_ =	sdelay $0x1  }
0xa7: {  	s23 =	simm.s32 $0x1B8B  }
0xa8: {  	_ =	swait.ge [sflag:s23], $0x1  }
0xa9: {  	[sflag:s23] =	ssyncset.done $0x0  }
0xaa: {  	s25 =	simm.s32 $0x1B8E;
	s24 =	sld [smem:$0x3FFE];
	[sflag:s23] =	ssyncadd.s32 $0xFFFFFFFF  }
0xab: {  	s26 =	simm.s32 $execute0_lowered;
	[smem:$0x3FD2] =	sst s25  }
0xac: {  	s6 =	sshll.u32 s26, $0x1;
	_ =	strace $0x80000046;
	[dreg:$0x1] =	wrdreg $0xFFFFFFFF  }
0xad: {  	s28 =	simm.s32 $_size_execute0_lowered;
	s4 =	sadd.s32 s4, s6;
	[dreg:$0x0] =	wrdreg $0x0  }
0xae: {  	s6 =	sshll.u32 s28, $0x1;
	[dreg:$0x2] =	wrdreg s4  }
0xaf: {  	[dreg:$0x3] =	wrdreg s6  }
0xb0: {  	[dreg:$0x4] =	wrdreg $0xC0  }
0xb1: {  	_ =	task [dreg:s8], $0x5FFFF  }
0xb2: {  	[dreg:$0x1] =	wrdreg $0xFFFFFFFF  }
0xb3: {  	[dreg:$0x0] =	wrdreg $0x60  }
0xb4: {  	[dreg:$0x2] =	wrdreg s15  }
0xb5: {  	[dreg:$0x3] =	wrdreg s24  }
0xb6: {  	[dreg:$0x4] =	wrdreg s16  }
0xb7: {  	[dreg:$0x5] =	wrdreg $0x9  }
0xb8: {  	_ =	task.clear_ibuf [dreg:s8], $0x6FFFF;
	_ =	strace $0x90000046  }
0xb9: {  	s29 =	simm.s32 $0x9;
	_ =	strace $0x80000048  }
0xba: {  	_ =	swait.ge [sflag:s29], $0x1  }
0xbb: {  	[sflag:s29] =	ssyncadd.s32 $0xFFFFFFFF  }
0xbc: {  	_ =	strace $0x90000048  }
0xbd: {  	_ =	sfence  }
0xbe: {  	s30 =	sld [smem:$0x0];
	_ =	sdelay $0x2  }
0xbf: {  	s31 =	sshll.u32 s1, $0xD;
	s1 =	sshrl.u32 s1, $0x2  }
0xc0: {  	s3 =	sand.u32 $0x4000, s31;
	s1 =	sadd.s32 s1, s30  }
0xc1: {  	s0 =	sor.u32 s3, s0;
	s1 =	sshll.u32 s1, $0x11  }
0xc2: {  	s0 =	sor.u32 s1, s0  }
0xc3: {  	s0 =	sadd.s32 $0x8F2B, s0  }
0xc4: {  	[sflag:s0] =	ssyncadd.remote.s32 $0x1  }
0xc5: {  	_ =	sfence.sel $0xFFFF  }
0xc6: {  	[dreg:$0x0] =	wrdreg $0xFFFFFFFF;
	(pc) =	sbr.abs _section_cstart, $3  }
0xc7: {  	[dreg:$0x1] =	wrdreg $0xFFFFFFFF  }
0xc8: {  	_ =	task.clear_ibuf [dreg:s8], $0x2FFFF;
	_ =	strace $0x9FFFFFFF  }
0xc9: {  	(tm) =	ssettm $0x7FFFFFFF  }
tec
execute0_lowered:
.L_overlay_start_1:
0x0: {  	(tag) =	ssettag $0x1  }
0x1: {  	s1 =	rddreg [dreg:$0x0]  }
0x2: {  	s6 =	rddreg [dreg:$0x1];
	s2 =	srdreg.scid  }
0x3: {  	s0 =	stileid.u32;
	s10 =	rddreg [dreg:$0x2];
	s15 =	simm.s32 $0x200  }
0x4: {  	s16 =	simm.s32 $0x400;
	s17 =	simm.s32 $0x2780;
	s18 =	simm.s32 $0xC580  }
0x5: {  	s19 =	simm.s32 $0x1;
	s20 =	simm.s32 $0x2;
	s21 =	simm.s32 $0x80  }
0x6: {  	s22 =	simm.s32 $0x16380;
	s23 =	simm.s32 $0x18B00;
	s24 =	simm.s32 $0x0  }
0x7: {  	s4 =	sand.u32 $0x1, s2;
	s3 =	sshll.u32 s0, $0x1;
	s7 =	sshrl.u32 s0, $0x2  }
0x8: {  	s11 =	sor.u32 s4, s3;
	s3 =	simm.s32 $0x0;
	s5 =	smul.u32 $0x13C00, s7  }
0x9: {  	s28 =	ssub.s32 $0x2, s4;
	s4 =	sadd.s32 $0xC00, s6;
	s14 =	sshll.u32 s7, $0xA  }
0xa: {  	s8 =	sshll.u32 s11, $0x7;
	[smem:$0x7FF] =	sst s3;
	s12 =	sshrl.u32 s28, $0x1  }
0xb: {  	s29 =	smul.u32 $0x4F000, s11;
	s31 =	sshll.u32 s11, $0x5;
	s9 =	sand.u32 $0x380, s8  }
0xc: {  	_ =	strace $0x80000047;
	s12 =	ssub.s32 s28, s12;
	s5 =	sor.u32 s5, s9  }
.Ltmp0:
0xd: {  	s7 =	sadd.s32 s4, s29;
	s14 =	sor.u32 s14, s9;
	(pc) =	sbr.rel .LBB2_1-.Ltmp0, $4  }
0xe: {  	s5 =	sshrl.u32 s5, $0x3;
	s30 =	sshrl.u32 s14, $0x3;
	s14 =	simm.s32 $0xFF800000  }
0xf: {  	s13 =	sadd.s32 s5, s6;
	s5 =	sshll.u32 s11, $0x8;
	s6 =	sadd.s32 $0xC40, s6  }
0x10: {  	s10 =	sadd.s32 s10, s30;
	s11 =	smax.u32 s12, $0x1;
	s12 =	sor.u32 $0x1, s31  }
0x11: {  	s8 =	sadd.s32 s29, s6;
	s9 =	sadd.s32 $0x9E0C00, s13;
	s13 =	simm.s32 $0x3  }
.LBB2_40:
0x12: {  	s0 =	sld [smem:$0x0];
	s2 =	scvt.s32.f32 s28  }
0x13: {  	_ = 	snop  }
0x14: {  	v63 =	vmov s2  }
0x15: {  	v0 =	vmov s0;
	[tilespmem:$0x18B20] =	vst v63  }
0x16: {  	[tilespmem:$0x18B00] =	vst v0  }
0x17: {  	[hbm4b:s9+s21] =	stream.strided.scatter [tilespmem:s22], [sflag:$0x3], $0x2780, s16, s21, $0x38;
	[tilespmem:$0x18B80] =	vst v63  }
0x18: {  	s24 =	sadd.s32 $0x1, s24;
	_ =	swait.ge [sflag:s13], $0x2780  }
0x19: {  	p0 =	sne.s32 s24, s11;
	[sflag:s13] =	ssyncset.done $0x0  }
.Ltmp1:
0x1a: {  	[sflag:s13] =	ssyncadd.s32 $0xFFFFD880;
	(pc) =	sbr.rel @!p0 .LBB2_41-.Ltmp1, $4  }
0x1b: {  	[hbm4b:s10+s3] =	stream.linear.scatter [tilespmem:s23], [sflag:$0x3], $0x80, $0x38;
	[tilespmem:$0x18B80] =	vst v63  }
0x1c: {  	_ =	swait.ge [sflag:s13], $0x80  }
0x1d: {  	[sflag:s13] =	ssyncset.done $0x0  }
0x1e: {  	[sflag:s13] =	ssyncadd.s32 $0xFFFFFF80  }
.LBB2_1:
0x1f: {  	[tilespmem:s3], [sflag:$0x3] =	stream.linear.gather [hbm4b:s1+s3], $0x2780, $0x38;
	[tilespmem:$0x18B80] =	vst v63  }
0x20: {  	_ =	swait.ge [sflag:s13], $0x2780  }
0x21: {  	[sflag:s13] =	ssyncset.done $0x0  }
0x22: {  	[sflag:s13] =	ssyncadd.s32 $0xFFFFD880  }
0x23: {  	[tilespmem:s17], [sflag:$0x1] =	stream.strided.gather [hbm4b:s7+s15], $0x9E00, s16, s15, $0x38;
	[tilespmem:$0x18B80] =	vst v63  }
0x24: {  	[smem:$0x0] =	sst s14  }
0x25: {  	s28 =	simm.s32 $0x0;
	s25 =	simm.s32 $0x0;
	[smem:$0x80] =	sst s3  }
0x26: {  	[tilespmem:s18], [sflag:$0x2] =	stream.strided.gather [hbm4b:s8+s15], $0x9E00, s16, s15, $0x38;
	[tilespmem:$0x18B80] =	vst v63  }
.LBB2_2:
0x27: {  	_ =	swait.ge [sflag:s19], $0x9E00  }
0x28: {  	s26 =	simm.s32 $0x0;
	s30 =	simm.s32 $0x0;
	[sflag:s19] =	ssyncset.done $0x0  }
0x29: {  	s29 =	sand.u32 $0x70, s26;
	s26 =	sand.u32 $0xFE00, s26;
	[sflag:s19] =	ssyncadd.s32 $0xFFFF6200  }
0x2a: {  	s26 =	sor.u32 s29, s26;
	v5 =	vld [tilespmem:s30+$0x0]  }
0x2b: {  	v1 =	vld [tilespmem:s26+$0x2900]  }
0x2c: {  	v4 =	vld [tilespmem:s26+$0x2780]  }
0x2d: {  	v7 =	vld [tilespmem:s26+$0x2800]  }
0x2e: {  	v9 =	vld [tilespmem:s26+$0x2880]  }
0x2f: {  	s29 =	simm.s32 $0x10;
	s30 =	simm.s32 $0x40  }
0x30: {  	s31 =	sand.u32 $0x70, s29;
	s29 =	simm.s32 $0x10;
	s30 =	sand.u32 $0xFE00, s30  }
0x31: {  	v0 =	vld [tilespmem:s29+$0x0];
	s26 =	sor.u32 s31, s30  }
0x32: {  	v3 =	vld [tilespmem:s26+$0x2900];
	v1 =	vmul.f32 v1, v5;
	v10 =	vmul.f32 v4, v5  }
0x33: {  	v2 =	vimm.f32 $0.0e+00;
	v6 =	vld [tilespmem:s26+$0x2780];
	v8 =	vmul.f32 v7, v5;
	v9 =	vmul.f32 v9, v5  }
0x34: {  	s29 =	simm.s32 $0x20;
	s30 =	simm.s32 $0x80;
	v4 =	vld [tilespmem:s26+$0x2800];
	v5 =	vimm.f32 $0.0e+00;
	v1 =	vadd.f32 v1, v2;
	v7 =	vadd.f32 v10, v2  }
.LBB2_3:
0x35: {  	s31 =	sand.u32 $0x70, s29;
	s2 =	sshra.s32 s30, $0x2;
	v10 =	vld [tilespmem:s26+$0x2880];
	v2 =	vadd.f32 v8, v2;
	p0 =	sne.s32 s29, $0x2700  }
.Ltmp2:
0x36: {  	s26 =	sand.u32 $0xFE00, s30;
	s29 =	sadd.s32 $0x10, s29;
	v5 =	vadd.f32 v9, v5;
	(pc) =	sbr.rel @p0 .LBB2_3-.Ltmp2, $4  }
0x37: {  	s26 =	sor.u32 s31, s26;
	v11 =	vmov v0;
	v9 =	vmul.f32 v3, v0;
	v0 =	vld [tilespmem:s2+$0x0]  }
0x38: {  	v3 =	vld [tilespmem:s26+$0x2900];
	v12 =	vmul.f32 v6, v11  }
0x39: {  	v6 =	vld [tilespmem:s26+$0x2780];
	v8 =	vmul.f32 v4, v11;
	v1 =	vadd.f32 v9, v1  }
0x3a: {  	s30 =	sadd.s32 $0x40, s30;
	v4 =	vld [tilespmem:s26+$0x2800];
	v7 =	vadd.f32 v12, v7;
	v9 =	vmul.f32 v10, v11  }
0x3b: {  	_ =	sdelay $0x2  }
0x3c: {  	v6 =	vmul.f32 v6, v0;
	_ =	sdelay $0x1  }
0x3d: {  	v6 =	vadd.f32 v6, v7;
	_ =	sdelay $0x1  }
0x3e: {  	(xrf2) =	vadd.scan.msk.f32 $0xffff, v6;
	_ =	sdelay $0x9  }
0x3f: {  	v6, _, _ =	vpop (xrf2)  }
0x40: {  	(v2sf) =	vpush v6, $0xF;
	_ =	sdelay $0xc  }
0x41: {  	s2 =	sld [smem:$0x0]  }
0x42: {  	v63 =	vld [tilespmem:s26+$0x2880]  }
0x43: {  	s30 =	spop (v2sf)  }
0x44: {  	p0 =	sgt.f32 s30, s2  }
.Ltmp3:
0x45: {  	_ = 	snop;
	(pc) =	sbr.rel @!p0 .LBB2_8-.Ltmp3, $4  }
0x46: {  	v2 =	vadd.f32 v8, v2;
	v4 =	vmul.f32 v4, v0  }
0x47: {  	v5 =	vadd.f32 v9, v5;
	v3 =	vmul.f32 v3, v0;
	v6 =	vmul.f32 v63, v0  }
0x48: {  	s31 =	sshll.u32 s25, $0x3;
	v2 =	vadd.f32 v4, v2  }
0x49: {  	s26 =	sor.u32 s5, s31;
	v0 =	vadd.f32 v3, v1;
	v1 =	vadd.f32 v6, v5  }
0x4a: {  	s2 =	simm.s32 $0x0  }
0x4b: {  	s28 =	sand.u32 $0x3F800, s2  }
0x4c: {  	s2 =	sand.u32 $0x70, s2;
	s28 =	sshrl.u32 s28, $0x2  }
0x4d: {  	s2 =	sor.u32 s2, s28  }
0x4e: {  	v4 =	vld [tilespmem:s2+$0x2780];
	_ =	sdelay $0x1  }
0x4f: {  	s29 =	simm.s32 $0x100  }
0x50: {  	s0 =	simm.s32 $0x10;
	s31 =	sand.u32 $0x3F800, s29  }
0x51: {  	s31 =	sshrl.u32 s31, $0x2;
	s28 =	simm.s32 $0x16380;
	s2 =	sand.u32 $0x70, s0  }
0x52: {  	[smem:$0x0] =	sst s30;
	s2 =	sor.u32 s2, s31;
	[tilespmem:s28+$0x0] =	vst v4;
	v5 =	vmul.f32 v4, v4  }
0x53: {  	v3 =	vimm.f32 $0.0e+00;
	s30 =	simm.s32 $0x20;
	[smem:$0x80] =	sst s26;
	v4 =	vld [tilespmem:s2+$0x2780]  }
.LBB2_6:
0x54: {  	p0 =	sne.s32 s30, $0x2700;
	v3 =	vadd.f32 v5, v3;
	s2 =	smov.u32 s30;
	s30 =	sadd.s32 $0x10, s30  }
.Ltmp4:
0x55: {  	s29 =	sadd.s32 $0x100, s29;
	(pc) =	sbr.rel @p0 .LBB2_6-.Ltmp4, $4  }
0x56: {  	s31 =	sand.u32 $0x3F800, s29  }
0x57: {  	s28 =	sadd.s32 $0x10, s28;
	s2 =	sand.u32 $0x70, s2;
	s31 =	sshrl.u32 s31, $0x2  }
0x58: {  	s2 =	sor.u32 s2, s31;
	[tilespmem:s28+$0x0] =	vst v4;
	v5 =	vmul.f32 v4, v4  }
0x59: {  	v4 =	vld [tilespmem:s2+$0x2780]  }
0x5a: {  	_ =	sdelay $0x3  }
0x5b: {  	v3 =	vadd.f32 v5, v3;
	v63 =	vmul.f32 v4, v4;
	_ =	sdelay $0x1  }
0x5c: {  	s2 =	sadd.s32 $0x10, s28;
	v3 =	vadd.f32 v63, v3  }
0x5d: {  	[tilespmem:s2+$0x0] =	vst v4  }
0x5e: {  	s28 =	smov.u32 s26;
	[tilespmem:$0x18B10] =	vst v3  }
.LBB2_8:
0x5f: {  	(xrf2) =	vadd.scan.msk.f32 $0xffff, v2;
	_ =	sdelay $0x9  }
0x60: {  	v2, _, _ =	vpop (xrf2)  }
0x61: {  	(v2sf) =	vpush v2, $0xF;
	_ =	sdelay $0xc  }
0x62: {  	s2 =	sld [smem:$0x0];
	_ =	sdelay $0x1  }
0x63: {  	s31 =	spop (v2sf)  }
0x64: {  	p0 =	sgt.f32 s31, s2  }
.Ltmp5:
0x65: {  	_ = 	snop;
	(pc) =	sbr.rel @!p0 .LBB2_12-.Ltmp5, $1  }
0x66: {  	_ =	sdelay $0x3  }
0x67: {  	s2 =	simm.s32 $0x0  }
0x68: {  	s28 =	sand.u32 $0x3F800, s2  }
0x69: {  	s2 =	sand.u32 $0x70, s2;
	s28 =	sshrl.u32 s28, $0x2  }
0x6a: {  	s2 =	sor.u32 s2, s28  }
0x6b: {  	v3 =	vld [tilespmem:s2+$0x2800];
	_ =	sdelay $0x1  }
0x6c: {  	s30 =	simm.s32 $0x100  }
0x6d: {  	s0 =	simm.s32 $0x10;
	s28 =	sand.u32 $0x3F800, s30  }
0x6e: {  	s29 =	simm.s32 $0x16380;
	s2 =	sand.u32 $0x70, s0;
	s0 =	sshrl.u32 s28, $0x2  }
0x6f: {  	[smem:$0x0] =	sst s31;
	s28 =	sor.u32 $0x1, s26;
	s0 =	sor.u32 s2, s0;
	[tilespmem:s29+$0x0] =	vst v3;
	v4 =	vmul.f32 v3, v3  }
0x70: {  	v2 =	vimm.f32 $0.0e+00;
	s31 =	simm.s32 $0x20;
	[smem:$0x80] =	sst s28;
	v3 =	vld [tilespmem:s0+$0x2800]  }
.LBB2_10:
0x71: {  	p0 =	sne.s32 s31, $0x2700;
	v2 =	vadd.f32 v4, v2;
	s0 =	smov.u32 s31;
	s31 =	sadd.s32 $0x10, s31  }
.Ltmp6:
0x72: {  	s30 =	sadd.s32 $0x100, s30;
	(pc) =	sbr.rel @p0 .LBB2_10-.Ltmp6, $4  }
0x73: {  	s2 =	sand.u32 $0x3F800, s30  }
0x74: {  	s29 =	sadd.s32 $0x10, s29;
	s0 =	sand.u32 $0x70, s0;
	s2 =	sshrl.u32 s2, $0x2  }
0x75: {  	s0 =	sor.u32 s0, s2;
	[tilespmem:s29+$0x0] =	vst v3;
	v4 =	vmul.f32 v3, v3  }
0x76: {  	v3 =	vld [tilespmem:s0+$0x2800]  }
0x77: {  	_ =	sdelay $0x3  }
0x78: {  	v2 =	vadd.f32 v4, v2;
	v63 =	vmul.f32 v3, v3;
	_ =	sdelay $0x1  }
0x79: {  	s0 =	sadd.s32 $0x10, s29;
	v2 =	vadd.f32 v63, v2  }
0x7a: {  	[tilespmem:s0+$0x0] =	vst v3  }
0x7b: {  	[tilespmem:$0x18B10] =	vst v2  }
.LBB2_12:
0x7c: {  	(xrf2) =	vadd.scan.msk.f32 $0xffff, v1;
	_ =	sdelay $0x9  }
0x7d: {  	v1, _, _ =	vpop (xrf2)  }
0x7e: {  	(v2sf) =	vpush v1, $0xF;
	_ =	sdelay $0xc  }
0x7f: {  	s0 =	sld [smem:$0x0];
	_ =	sdelay $0x1  }
0x80: {  	s31 =	spop (v2sf)  }
0x81: {  	p0 =	sgt.f32 s31, s0  }
.Ltmp7:
0x82: {  	_ = 	snop;
	(pc) =	sbr.rel @!p0 .LBB2_16-.Ltmp7, $1  }
0x83: {  	_ =	sdelay $0x3  }
0x84: {  	s0 =	simm.s32 $0x0  }
0x85: {  	s2 =	sand.u32 $0x3F800, s0  }
0x86: {  	s0 =	sand.u32 $0x70, s0;
	s2 =	sshrl.u32 s2, $0x2  }
0x87: {  	s0 =	sor.u32 s0, s2  }
0x88: {  	v2 =	vld [tilespmem:s0+$0x2880];
	_ =	sdelay $0x1  }
0x89: {  	s30 =	simm.s32 $0x100  }
0x8a: {  	s2 =	sand.u32 $0x3F800, s30;
	s0 =	simm.s32 $0x10  }
0x8b: {  	s29 =	simm.s32 $0x16380;
	s2 =	sshrl.u32 s2, $0x2;
	s0 =	sand.u32 $0x70, s0  }
0x8c: {  	[smem:$0x0] =	sst s31;
	s28 =	sor.u32 $0x2, s26;
	s0 =	sor.u32 s0, s2;
	[tilespmem:s29+$0x0] =	vst v2;
	v3 =	vmul.f32 v2, v2  }
0x8d: {  	v1 =	vimm.f32 $0.0e+00;
	s31 =	simm.s32 $0x20;
	[smem:$0x80] =	sst s28;
	v2 =	vld [tilespmem:s0+$0x2880]  }
.LBB2_14:
0x8e: {  	p0 =	sne.s32 s31, $0x2700;
	v1 =	vadd.f32 v3, v1;
	s0 =	smov.u32 s31;
	s31 =	sadd.s32 $0x10, s31  }
.Ltmp8:
0x8f: {  	s30 =	sadd.s32 $0x100, s30;
	(pc) =	sbr.rel @p0 .LBB2_14-.Ltmp8, $4  }
0x90: {  	s2 =	sand.u32 $0x3F800, s30  }
0x91: {  	s29 =	sadd.s32 $0x10, s29;
	s0 =	sand.u32 $0x70, s0;
	s2 =	sshrl.u32 s2, $0x2  }
0x92: {  	s0 =	sor.u32 s0, s2;
	[tilespmem:s29+$0x0] =	vst v2;
	v3 =	vmul.f32 v2, v2  }
0x93: {  	v2 =	vld [tilespmem:s0+$0x2880]  }
0x94: {  	_ =	sdelay $0x3  }
0x95: {  	v1 =	vadd.f32 v3, v1;
	v3 =	vmul.f32 v2, v2;
	_ =	sdelay $0x1  }
0x96: {  	s0 =	sadd.s32 $0x10, s29;
	v1 =	vadd.f32 v3, v1  }
0x97: {  	[tilespmem:s0+$0x0] =	vst v2  }
0x98: {  	[tilespmem:$0x18B10] =	vst v1  }
.LBB2_16:
0x99: {  	(xrf2) =	vadd.scan.msk.f32 $0xffff, v0;
	_ =	sdelay $0x9  }
0x9a: {  	v0, _, _ =	vpop (xrf2)  }
0x9b: {  	(v2sf) =	vpush v0, $0xF;
	_ =	sdelay $0xc  }
0x9c: {  	s0 =	sld [smem:$0x0];
	_ =	sdelay $0x1  }
0x9d: {  	s31 =	spop (v2sf)  }
0x9e: {  	p0 =	sgt.f32 s31, s0  }
.Ltmp9:
0x9f: {  	_ = 	snop;
	(pc) =	sbr.rel @!p0 .LBB2_20-.Ltmp9, $1  }
0xa0: {  	_ =	sdelay $0x3  }
0xa1: {  	s0 =	simm.s32 $0x0  }
0xa2: {  	s2 =	sand.u32 $0x3F800, s0  }
0xa3: {  	s0 =	sand.u32 $0x70, s0;
	s2 =	sshrl.u32 s2, $0x2  }
0xa4: {  	s0 =	sor.u32 s0, s2  }
0xa5: {  	v1 =	vld [tilespmem:s0+$0x2900];
	_ =	sdelay $0x1  }
0xa6: {  	s30 =	simm.s32 $0x100  }
0xa7: {  	s2 =	sand.u32 $0x3F800, s30;
	s0 =	simm.s32 $0x10  }
0xa8: {  	s29 =	simm.s32 $0x16380;
	s2 =	sshrl.u32 s2, $0x2;
	s0 =	sand.u32 $0x70, s0  }
0xa9: {  	[smem:$0x0] =	sst s31;
	s28 =	sor.u32 $0x3, s26;
	s0 =	sor.u32 s0, s2;
	[tilespmem:s29+$0x0] =	vst v1;
	v2 =	vmul.f32 v1, v1  }
0xaa: {  	v0 =	vimm.f32 $0.0e+00;
	s31 =	simm.s32 $0x20;
	[smem:$0x80] =	sst s28;
	v1 =	vld [tilespmem:s0+$0x2900]  }
.LBB2_18:
0xab: {  	p0 =	sne.s32 s31, $0x2700;
	v0 =	vadd.f32 v2, v0;
	s0 =	smov.u32 s31;
	s31 =	sadd.s32 $0x10, s31  }
.Ltmp10:
0xac: {  	s30 =	sadd.s32 $0x100, s30;
	(pc) =	sbr.rel @p0 .LBB2_18-.Ltmp10, $4  }
0xad: {  	s2 =	sand.u32 $0x3F800, s30  }
0xae: {  	s29 =	sadd.s32 $0x10, s29;
	s0 =	sand.u32 $0x70, s0;
	s2 =	sshrl.u32 s2, $0x2  }
0xaf: {  	s0 =	sor.u32 s0, s2;
	[tilespmem:s29+$0x0] =	vst v1;
	v2 =	vmul.f32 v1, v1  }
0xb0: {  	v1 =	vld [tilespmem:s0+$0x2900]  }
0xb1: {  	_ =	sdelay $0x3  }
0xb2: {  	v0 =	vadd.f32 v2, v0;
	v63 =	vmul.f32 v1, v1;
	_ =	sdelay $0x1  }
0xb3: {  	s0 =	sadd.s32 $0x10, s29;
	v0 =	vadd.f32 v63, v0  }
0xb4: {  	[tilespmem:s0+$0x0] =	vst v1  }
0xb5: {  	[tilespmem:$0x18B10] =	vst v0  }
.LBB2_20:
0xb6: {  	p0 =	seq.s32 s25, $0x1F  }
0xb7: {  	s0 =	sadd.s32 @!p0 s25, s12  }
0xb8: {  	s0 =	smul.u32 @!p0 $0x2780, s0  }
0xb9: {  	s2 =	simm.s32 @!p0 $0x200  }
0xba: {  	s29 =	simm.s32 @!p0 $0x400;
	s30 =	simm.s32 @!p0 $0x2780;
	s0 =	sadd.s32 @!p0 s4, s0  }
0xbb: {  	[tilespmem:s30], [sflag:$0x1] =	stream.strided.gather @!p0 [hbm4b:s0+s2], $0x9E00, s29, s2, $0x38;
	[tilespmem:$0x18B80] =	vst v63  }
0xbc: {  	_ =	swait.ge [sflag:s20], $0x9E00  }
0xbd: {  	s0 =	simm.s32 $0x0;
	s29 =	simm.s32 $0x0;
	[sflag:s20] =	ssyncset.done $0x0  }
0xbe: {  	s2 =	sand.u32 $0x70, s0;
	s0 =	sand.u32 $0xFE00, s0;
	[sflag:s20] =	ssyncadd.s32 $0xFFFF6200  }
0xbf: {  	s0 =	sor.u32 s2, s0;
	v5 =	vld [tilespmem:s29+$0x0]  }
0xc0: {  	v1 =	vld [tilespmem:s0+$0xC700]  }
0xc1: {  	v4 =	vld [tilespmem:s0+$0xC580]  }
0xc2: {  	v7 =	vld [tilespmem:s0+$0xC600]  }
0xc3: {  	v9 =	vld [tilespmem:s0+$0xC680]  }
0xc4: {  	s2 =	simm.s32 $0x10;
	s29 =	simm.s32 $0x40  }
0xc5: {  	s0 =	sand.u32 $0x70, s2;
	s2 =	simm.s32 $0x10;
	s29 =	sand.u32 $0xFE00, s29  }
0xc6: {  	v0 =	vld [tilespmem:s2+$0x0];
	s29 =	sor.u32 s0, s29  }
0xc7: {  	v3 =	vld [tilespmem:s29+$0xC700];
	v1 =	vmul.f32 v1, v5;
	v10 =	vmul.f32 v4, v5  }
0xc8: {  	v2 =	vimm.f32 $0.0e+00;
	v6 =	vld [tilespmem:s29+$0xC580];
	v8 =	vmul.f32 v7, v5;
	v9 =	vmul.f32 v9, v5  }
0xc9: {  	s31 =	simm.s32 $0x80;
	s30 =	simm.s32 $0x20;
	v4 =	vld [tilespmem:s29+$0xC600];
	v5 =	vimm.f32 $0.0e+00;
	v1 =	vadd.f32 v1, v2;
	v7 =	vadd.f32 v10, v2  }
.LBB2_21:
0xca: {  	s0 =	sand.u32 $0x70, s30;
	s2 =	sshra.s32 s31, $0x2;
	v10 =	vld [tilespmem:s29+$0xC680];
	v2 =	vadd.f32 v8, v2;
	p1 =	sne.s32 s30, $0x2700  }
.Ltmp11:
0xcb: {  	s29 =	sand.u32 $0xFE00, s31;
	s30 =	sadd.s32 $0x10, s30;
	v5 =	vadd.f32 v9, v5;
	(pc) =	sbr.rel @p1 .LBB2_21-.Ltmp11, $4  }
0xcc: {  	s29 =	sor.u32 s0, s29;
	v11 =	vmov v0;
	v9 =	vmul.f32 v3, v0;
	v0 =	vld [tilespmem:s2+$0x0]  }
0xcd: {  	v3 =	vld [tilespmem:s29+$0xC700];
	v12 =	vmul.f32 v6, v11  }
0xce: {  	v6 =	vld [tilespmem:s29+$0xC580];
	v8 =	vmul.f32 v4, v11;
	v1 =	vadd.f32 v9, v1  }
0xcf: {  	s31 =	sadd.s32 $0x40, s31;
	v4 =	vld [tilespmem:s29+$0xC600];
	v7 =	vadd.f32 v12, v7;
	v9 =	vmul.f32 v10, v11  }
0xd0: {  	_ =	sdelay $0x2  }
0xd1: {  	v6 =	vmul.f32 v6, v0;
	_ =	sdelay $0x1  }
0xd2: {  	v6 =	vadd.f32 v6, v7;
	_ =	sdelay $0x1  }
0xd3: {  	(xrf2) =	vadd.scan.msk.f32 $0xffff, v6;
	_ =	sdelay $0x9  }
0xd4: {  	v6, _, _ =	vpop (xrf2)  }
0xd5: {  	(v2sf) =	vpush v6, $0xF;
	_ =	sdelay $0xc  }
0xd6: {  	s0 =	sld [smem:$0x0]  }
0xd7: {  	v63 =	vld [tilespmem:s29+$0xC680]  }
0xd8: {  	s31 =	spop (v2sf)  }
0xd9: {  	p1 =	sgt.f32 s31, s0  }
.Ltmp12:
0xda: {  	_ = 	snop;
	(pc) =	sbr.rel @!p1 .LBB2_26-.Ltmp12, $4  }
0xdb: {  	v2 =	vadd.f32 v8, v2;
	v4 =	vmul.f32 v4, v0  }
0xdc: {  	v5 =	vadd.f32 v9, v5;
	v3 =	vmul.f32 v3, v0;
	v6 =	vmul.f32 v63, v0  }
0xdd: {  	v2 =	vadd.f32 v4, v2  }
0xde: {  	v0 =	vadd.f32 v3, v1;
	v1 =	vadd.f32 v6, v5  }
0xdf: {  	s0 =	simm.s32 $0x0  }
0xe0: {  	s2 =	sand.u32 $0x3F800, s0  }
0xe1: {  	s0 =	sand.u32 $0x70, s0;
	s2 =	sshrl.u32 s2, $0x2  }
0xe2: {  	s0 =	sor.u32 s0, s2  }
0xe3: {  	v4 =	vld [tilespmem:s0+$0xC580];
	_ =	sdelay $0x1  }
0xe4: {  	s30 =	simm.s32 $0x100  }
0xe5: {  	s2 =	sand.u32 $0x3F800, s30;
	s0 =	simm.s32 $0x10  }
0xe6: {  	s29 =	simm.s32 $0x16380;
	s2 =	sshrl.u32 s2, $0x2;
	s0 =	sand.u32 $0x70, s0  }
0xe7: {  	s28 =	sor.u32 $0x4, s26;
	[smem:$0x0] =	sst s31;
	s0 =	sor.u32 s0, s2;
	[tilespmem:s29+$0x0] =	vst v4;
	v5 =	vmul.f32 v4, v4  }
0xe8: {  	v3 =	vimm.f32 $0.0e+00;
	s31 =	simm.s32 $0x20;
	[smem:$0x80] =	sst s28;
	v4 =	vld [tilespmem:s0+$0xC580]  }
.LBB2_24:
0xe9: {  	p1 =	sne.s32 s31, $0x2700;
	v3 =	vadd.f32 v5, v3;
	s0 =	smov.u32 s31;
	s31 =	sadd.s32 $0x10, s31  }
.Ltmp13:
0xea: {  	s30 =	sadd.s32 $0x100, s30;
	(pc) =	sbr.rel @p1 .LBB2_24-.Ltmp13, $4  }
0xeb: {  	s2 =	sand.u32 $0x3F800, s30  }
0xec: {  	s29 =	sadd.s32 $0x10, s29;
	s0 =	sand.u32 $0x70, s0;
	s2 =	sshrl.u32 s2, $0x2  }
0xed: {  	s0 =	sor.u32 s0, s2;
	[tilespmem:s29+$0x0] =	vst v4;
	v5 =	vmul.f32 v4, v4  }
0xee: {  	v4 =	vld [tilespmem:s0+$0xC580]  }
0xef: {  	_ =	sdelay $0x3  }
0xf0: {  	v3 =	vadd.f32 v5, v3;
	v63 =	vmul.f32 v4, v4;
	_ =	sdelay $0x1  }
0xf1: {  	s0 =	sadd.s32 $0x10, s29;
	v3 =	vadd.f32 v63, v3  }
0xf2: {  	[tilespmem:s0+$0x0] =	vst v4  }
0xf3: {  	[tilespmem:$0x18B10] =	vst v3  }
.LBB2_26:
0xf4: {  	(xrf2) =	vadd.scan.msk.f32 $0xffff, v2;
	_ =	sdelay $0x9  }
0xf5: {  	v2, _, _ =	vpop (xrf2)  }
0xf6: {  	(v2sf) =	vpush v2, $0xF;
	_ =	sdelay $0xc  }
0xf7: {  	s0 =	sld [smem:$0x0];
	_ =	sdelay $0x1  }
0xf8: {  	s31 =	spop (v2sf)  }
0xf9: {  	p1 =	sgt.f32 s31, s0  }
.Ltmp14:
0xfa: {  	_ = 	snop;
	(pc) =	sbr.rel @!p1 .LBB2_30-.Ltmp14, $1  }
0xfb: {  	_ =	sdelay $0x3  }
0xfc: {  	s0 =	simm.s32 $0x0  }
0xfd: {  	s2 =	sand.u32 $0x3F800, s0  }
0xfe: {  	s0 =	sand.u32 $0x70, s0;
	s2 =	sshrl.u32 s2, $0x2  }
0xff: {  	s0 =	sor.u32 s0, s2  }
0x100: {  	v3 =	vld [tilespmem:s0+$0xC600];
	_ =	sdelay $0x1  }
0x101: {  	s30 =	simm.s32 $0x100  }
0x102: {  	s2 =	sand.u32 $0x3F800, s30;
	s0 =	simm.s32 $0x10  }
0x103: {  	s29 =	simm.s32 $0x16380;
	s2 =	sshrl.u32 s2, $0x2;
	s0 =	sand.u32 $0x70, s0  }
0x104: {  	[smem:$0x0] =	sst s31;
	s28 =	sor.u32 $0x5, s26;
	s0 =	sor.u32 s0, s2;
	[tilespmem:s29+$0x0] =	vst v3;
	v4 =	vmul.f32 v3, v3  }
0x105: {  	v2 =	vimm.f32 $0.0e+00;
	s31 =	simm.s32 $0x20;
	[smem:$0x80] =	sst s28;
	v3 =	vld [tilespmem:s0+$0xC600]  }
.LBB2_28:
0x106: {  	p1 =	sne.s32 s31, $0x2700;
	v2 =	vadd.f32 v4, v2;
	s0 =	smov.u32 s31;
	s31 =	sadd.s32 $0x10, s31  }
.Ltmp15:
0x107: {  	s30 =	sadd.s32 $0x100, s30;
	(pc) =	sbr.rel @p1 .LBB2_28-.Ltmp15, $4  }
0x108: {  	s2 =	sand.u32 $0x3F800, s30  }
0x109: {  	s29 =	sadd.s32 $0x10, s29;
	s0 =	sand.u32 $0x70, s0;
	s2 =	sshrl.u32 s2, $0x2  }
0x10a: {  	s0 =	sor.u32 s0, s2;
	[tilespmem:s29+$0x0] =	vst v3;
	v4 =	vmul.f32 v3, v3  }
0x10b: {  	v3 =	vld [tilespmem:s0+$0xC600]  }
0x10c: {  	_ =	sdelay $0x3  }
0x10d: {  	v2 =	vadd.f32 v4, v2;
	v63 =	vmul.f32 v3, v3;
	_ =	sdelay $0x1  }
0x10e: {  	s0 =	sadd.s32 $0x10, s29;
	v2 =	vadd.f32 v63, v2  }
0x10f: {  	[tilespmem:s0+$0x0] =	vst v3  }
0x110: {  	[tilespmem:$0x18B10] =	vst v2  }
.LBB2_30:
0x111: {  	(xrf2) =	vadd.scan.msk.f32 $0xffff, v1;
	_ =	sdelay $0x9  }
0x112: {  	v1, _, _ =	vpop (xrf2)  }
0x113: {  	(v2sf) =	vpush v1, $0xF;
	_ =	sdelay $0xc  }
0x114: {  	s0 =	sld [smem:$0x0];
	_ =	sdelay $0x1  }
0x115: {  	s31 =	spop (v2sf)  }
0x116: {  	p1 =	sgt.f32 s31, s0  }
.Ltmp16:
0x117: {  	_ = 	snop;
	(pc) =	sbr.rel @!p1 .LBB2_34-.Ltmp16, $1  }
0x118: {  	_ =	sdelay $0x3  }
0x119: {  	s0 =	simm.s32 $0x0  }
0x11a: {  	s2 =	sand.u32 $0x3F800, s0  }
0x11b: {  	s0 =	sand.u32 $0x70, s0;
	s2 =	sshrl.u32 s2, $0x2  }
0x11c: {  	s0 =	sor.u32 s0, s2  }
0x11d: {  	v2 =	vld [tilespmem:s0+$0xC680];
	_ =	sdelay $0x1  }
0x11e: {  	s30 =	simm.s32 $0x100  }
0x11f: {  	s2 =	sand.u32 $0x3F800, s30;
	s0 =	simm.s32 $0x10  }
0x120: {  	s29 =	simm.s32 $0x16380;
	s2 =	sshrl.u32 s2, $0x2;
	s0 =	sand.u32 $0x70, s0  }
0x121: {  	[smem:$0x0] =	sst s31;
	s28 =	sor.u32 $0x6, s26;
	s0 =	sor.u32 s0, s2;
	[tilespmem:s29+$0x0] =	vst v2;
	v3 =	vmul.f32 v2, v2  }
0x122: {  	v1 =	vimm.f32 $0.0e+00;
	s31 =	simm.s32 $0x20;
	[smem:$0x80] =	sst s28;
	v2 =	vld [tilespmem:s0+$0xC680]  }
.LBB2_32:
0x123: {  	p1 =	sne.s32 s31, $0x2700;
	v1 =	vadd.f32 v3, v1;
	s0 =	smov.u32 s31;
	s31 =	sadd.s32 $0x10, s31  }
.Ltmp17:
0x124: {  	s30 =	sadd.s32 $0x100, s30;
	(pc) =	sbr.rel @p1 .LBB2_32-.Ltmp17, $4  }
0x125: {  	s2 =	sand.u32 $0x3F800, s30  }
0x126: {  	s29 =	sadd.s32 $0x10, s29;
	s0 =	sand.u32 $0x70, s0;
	s2 =	sshrl.u32 s2, $0x2  }
0x127: {  	s0 =	sor.u32 s0, s2;
	[tilespmem:s29+$0x0] =	vst v2;
	v3 =	vmul.f32 v2, v2  }
0x128: {  	v2 =	vld [tilespmem:s0+$0xC680]  }
0x129: {  	_ =	sdelay $0x3  }
0x12a: {  	v1 =	vadd.f32 v3, v1;
	v3 =	vmul.f32 v2, v2;
	_ =	sdelay $0x1  }
0x12b: {  	s0 =	sadd.s32 $0x10, s29;
	v1 =	vadd.f32 v3, v1  }
0x12c: {  	[tilespmem:s0+$0x0] =	vst v2  }
0x12d: {  	[tilespmem:$0x18B10] =	vst v1  }
.LBB2_34:
0x12e: {  	(xrf2) =	vadd.scan.msk.f32 $0xffff, v0;
	_ =	sdelay $0x9  }
0x12f: {  	v0, _, _ =	vpop (xrf2)  }
0x130: {  	(v2sf) =	vpush v0, $0xF;
	_ =	sdelay $0xc  }
0x131: {  	s0 =	sld [smem:$0x0];
	_ =	sdelay $0x1  }
0x132: {  	s31 =	spop (v2sf)  }
0x133: {  	p1 =	sgt.f32 s31, s0  }
.Ltmp18:
0x134: {  	_ = 	snop;
	(pc) =	sbr.rel @!p1 .LBB2_38-.Ltmp18, $1  }
0x135: {  	_ =	sdelay $0x3  }
0x136: {  	s0 =	simm.s32 $0x0  }
0x137: {  	s2 =	sand.u32 $0x3F800, s0  }
0x138: {  	s0 =	sand.u32 $0x70, s0;
	s2 =	sshrl.u32 s2, $0x2  }
0x139: {  	s0 =	sor.u32 s0, s2  }
0x13a: {  	v1 =	vld [tilespmem:s0+$0xC700];
	_ =	sdelay $0x1  }
0x13b: {  	s30 =	simm.s32 $0x100  }
0x13c: {  	s2 =	sand.u32 $0x3F800, s30;
	s0 =	simm.s32 $0x10  }
0x13d: {  	s29 =	simm.s32 $0x16380;
	s2 =	sshrl.u32 s2, $0x2;
	s0 =	sand.u32 $0x70, s0  }
0x13e: {  	[smem:$0x0] =	sst s31;
	s28 =	sor.u32 $0x7, s26;
	s0 =	sor.u32 s0, s2;
	[tilespmem:s29+$0x0] =	vst v1;
	v2 =	vmul.f32 v1, v1  }
0x13f: {  	v0 =	vimm.f32 $0.0e+00;
	s26 =	simm.s32 $0x20;
	[smem:$0x80] =	sst s28;
	v1 =	vld [tilespmem:s0+$0xC700]  }
.LBB2_36:
0x140: {  	p1 =	sne.s32 s26, $0x2700;
	v0 =	vadd.f32 v2, v0;
	s0 =	smov.u32 s26;
	s26 =	sadd.s32 $0x10, s26  }
.Ltmp19:
0x141: {  	s30 =	sadd.s32 $0x100, s30;
	(pc) =	sbr.rel @p1 .LBB2_36-.Ltmp19, $4  }
0x142: {  	s2 =	sand.u32 $0x3F800, s30  }
0x143: {  	s29 =	sadd.s32 $0x10, s29;
	s0 =	sand.u32 $0x70, s0;
	s2 =	sshrl.u32 s2, $0x2  }
0x144: {  	s0 =	sor.u32 s0, s2;
	[tilespmem:s29+$0x0] =	vst v1;
	v2 =	vmul.f32 v1, v1  }
0x145: {  	v1 =	vld [tilespmem:s0+$0xC700]  }
0x146: {  	_ =	sdelay $0x3  }
0x147: {  	v0 =	vadd.f32 v2, v0;
	v63 =	vmul.f32 v1, v1;
	_ =	sdelay $0x1  }
0x148: {  	s0 =	sadd.s32 $0x10, s29;
	v0 =	vadd.f32 v63, v0  }
0x149: {  	[tilespmem:s0+$0x0] =	vst v1  }
0x14a: {  	[tilespmem:$0x18B10] =	vst v0  }
.LBB2_38:
.Ltmp20:
0x14b: {  	(pc) =	sbr.rel @p0 .LBB2_40-.Ltmp20, $1  }
0x14c: {  	_ =	sdelay $0x3  }
.Ltmp21:
0x14d: {  	s0 =	sadd.s32 s25, s12;
	(pc) =	sbr.rel .LBB2_2-.Ltmp21, $3  }
0x14e: {  	s0 =	smul.u32 $0x2780, s0;
	_ =	sdelay $0x1  }
0x14f: {  	s25 =	sadd.s32 $0x1, s25;
	s0 =	sadd.s32 s0, s6  }
0x150: {  	[tilespmem:s18], [sflag:$0x2] =	stream.strided.gather [hbm4b:s0+s15], $0x9E00, s16, s15, $0x38;
	[tilespmem:$0x18B80] =	vst v63  }
.LBB2_41:
0x151: {  	_ =	sfence.sel $0x180000  }
0x152: {  	[bflag:$0x0] =	sbarrier.arrive $0xFFFF  }
0x153: {  	_ =	strace $0x90000047  }
0x154: {  	s0 =	stileid.u32;
	[bflag:$0x2] =	sbarrier.arrive $0xFFFF  }
0x155: {  	p0 =	sne.s32 s0, $0x0;
	s0 =	rddreg [dreg:$0x3]  }
0x156: {  	s0 =	sadd.s32 @!p0 $0x100000, s0  }
0x157: {  	[sflag:s0] =	ssyncadd.tile.s32 @!p0 $0x1;
	_ =	shalt  }
.Lfunc_end2:
_tile_overlayer_lowered:
.L_overlay_start_2:
0x158: {  	(tag) =	ssettag $0x2  }
0x159: {  	s0 =	rddreg [dreg:$0x0];
	s2 =	stileid.u32  }
0x15a: {  	s1 =	rddreg [dreg:$0x1];
	p0 =	sne.s32 s2, $0x0  }
0x15b: {  	s3 =	rddreg [dreg:$0x2];
	[bflag:$0x3] =	sbarrier.arrive $0xFFFF;
	s2 =	simm.s32 @!p0 $0x1C03  }
0x15c: {  	[timem:s3], [sflag:s2] =	dma.local @!p0 [hbm:s0], s1  }
0x15d: {  	s0 =	simm.s32 @!p0 $0x3  }
0x15e: {  	_ =	swait.ge @!p0 [sflag:s0], s1  }
0x15f: {  	s1 =	ssub.s32 @!p0 $0x0, s1;
	[sflag:s0] =	ssyncset.done @!p0 $0x0  }
0x160: {  	[sflag:s0] =	ssyncadd.s32 @!p0 s1  }
0x161: {  	[bflag:$0x3] =	sbarrier.arrive $0xFFFF  }
0x162: {  	_ =	shalt  }

</sc_bundles>
